<compile_context>
chip_gen: v7x
topology: tpu7x:2x2x1
jax: 0.10.2.dev20260603
libtpu: 0.0.44.dev20260713+nightly
codegen_flags: <defaults>
</compile_context>

<pallas_src>
import jax
import jax.numpy as jnp
from jax import lax
from jax.experimental import pallas as pl
from jax.experimental.pallas import tpu as pltpu
from jax.experimental.pallas import tpu_sc as plsc

N_NODES = 10000
N_PAD = 10240
E_EDGES = 320000
D_FEAT = 128
D_HALF = 64

NUM_CORES = 2
NUM_SUBCORES = 16
NUM_TILES = NUM_CORES * NUM_SUBCORES
CHUNK = 128
E_PAD = 327680
ROWS_PER_TILE = N_PAD // NUM_SUBCORES

DEG_CHUNKS = E_PAD // (NUM_TILES * CHUNK)

SC_CHUNKS = E_PAD // (NUM_SUBCORES * CHUNK)
NBUF = 5
LOOKAHEAD = 3


def _deg_body(row2d_hbm, out_hbm, deg_sh, zbuf_v, rowidx_v, ones_v, dsem):
    c = lax.axis_index("c")
    s = lax.axis_index("s")
    wid = c * NUM_SUBCORES + s
    r0 = s * ROWS_PER_TILE

    zeros16 = jnp.zeros((16,), dtype=jnp.float32)

    def zbody(i, _):
        zbuf_v[pl.ds(i * 16, 16)] = zeros16
        return 0
    lax.fori_loop(0, ROWS_PER_TILE // 16, zbody, 0)
    for j in range(CHUNK // 16):
        ones_v[pl.ds(j * 16, 16)] = jnp.full((16,), 1.0, dtype=jnp.float32)
    pltpu.sync_copy(zbuf_v, deg_sh.at[pl.ds(r0, ROWS_PER_TILE)])

    pltpu.sync_copy(row2d_hbm.at[pl.ds(wid * DEG_CHUNKS, DEG_CHUNKS)],
                    rowidx_v)
    plsc.subcore_barrier()

    K = 8

    def body(g, _):
        descs = [
            pltpu.async_copy(ones_v, deg_sh.at[rowidx_v.at[g * K + k]],
                             dsem, add=True)
            for k in range(K)
        ]
        for d in descs:
            d.wait()
        return 0
    lax.fori_loop(0, DEG_CHUNKS // K, body, 0)

    plsc.subcore_barrier()
    pltpu.sync_copy(deg_sh.at[pl.ds(r0, ROWS_PER_TILE)],
                    out_hbm.at[c, pl.ds(r0, ROWS_PER_TILE)])


def _sc_degree(row2d):
    mesh = plsc.VectorSubcoreMesh(core_axis_name="c", subcore_axis_name="s")
    return pl.kernel(
        _deg_body,
        out_type=jax.ShapeDtypeStruct((NUM_CORES, N_PAD), jnp.float32),
        mesh=mesh,
        scratch_types=[
            pltpu.VMEM_SHARED((N_PAD,), jnp.float32),
            pltpu.VMEM((ROWS_PER_TILE,), jnp.float32),
            pltpu.VMEM((DEG_CHUNKS, CHUNK), jnp.int32),
            pltpu.VMEM((CHUNK,), jnp.float32),
            pltpu.SemaphoreType.DMA,
        ],
        compiler_params=pltpu.CompilerParams(needs_layout_passes=False,
                                             use_tc_tiling_on_sc=False),
    )(row2d)


BLK = 512


def _dis_col(degp_blk):
    deg = jnp.sum(jnp.transpose(degp_blk), axis=1, keepdims=True)
    return jnp.where(deg > 0.0, lax.rsqrt(deg), 0.0)


def _prep_body(degp_ref, x_ref, xs_ref):
    xs = _dis_col(degp_ref[...]) * x_ref[...]
    xs_ref[0] = xs[:, :D_HALF]
    xs_ref[1] = xs[:, D_HALF:]


def _tc_prep(degp, x_pad):
    grid = (N_PAD // BLK,)
    return pl.pallas_call(
        _prep_body,
        grid=grid,
        in_specs=[
            pl.BlockSpec((NUM_CORES, BLK), lambda i: (0, i)),
            pl.BlockSpec((BLK, D_FEAT), lambda i: (i, 0)),
        ],
        out_specs=pl.BlockSpec((NUM_CORES, BLK, D_HALF), lambda i: (0, i, 0)),
        out_shape=jax.ShapeDtypeStruct((NUM_CORES, N_PAD, D_HALF),
                                       jnp.float32),
    )(degp, x_pad)


def _scat_body(xs3_hbm, row2d_hbm, col2d_hbm, zeros_hbm, out_hbm,
               acc_sh, colidx_v, rowidx_v, gbufs, gsems, ssems):
    c = lax.axis_index("c")
    s = lax.axis_index("s")
    r0 = s * ROWS_PER_TILE

    pltpu.sync_copy(zeros_hbm.at[pl.ds(r0, ROWS_PER_TILE)],
                    acc_sh.at[pl.ds(r0, ROWS_PER_TILE)])
    pltpu.sync_copy(col2d_hbm.at[pl.ds(s * SC_CHUNKS, SC_CHUNKS)], colidx_v)
    pltpu.sync_copy(row2d_hbm.at[pl.ds(s * SC_CHUNKS, SC_CHUNKS)], rowidx_v)
    plsc.subcore_barrier()

    xs_hbm = xs3_hbm.at[c]

    def gather(i):
        b = lax.rem(i, NBUF)
        pltpu.async_copy(xs_hbm.at[colidx_v.at[i]], gbufs.at[b], gsems.at[b])

    def gather_wait(i):
        b = lax.rem(i, NBUF)
        pltpu.make_async_copy(xs_hbm.at[colidx_v.at[i]], gbufs.at[b],
                              gsems.at[b]).wait()

    def scat(i):
        b = lax.rem(i, NBUF)
        pltpu.async_copy(gbufs.at[b], acc_sh.at[rowidx_v.at[i]],
                         ssems.at[b], add=True)

    def scat_wait(i):
        b = lax.rem(i, NBUF)
        pltpu.make_async_copy(gbufs.at[b], acc_sh.at[rowidx_v.at[i]],
                              ssems.at[b]).wait()

    for i in range(LOOKAHEAD):
        gather(i)

    def turn(i, _):
        @pl.when(i >= NBUF - LOOKAHEAD)
        def _():
            scat_wait(i - (NBUF - LOOKAHEAD))

        @pl.when(i + LOOKAHEAD < SC_CHUNKS)
        def _():
            gather(i + LOOKAHEAD)

        gather_wait(i)
        scat(i)
        return 0
    lax.fori_loop(0, SC_CHUNKS, turn, 0)

    for k in range(NBUF - LOOKAHEAD):
        scat_wait(SC_CHUNKS - (NBUF - LOOKAHEAD) + k)

    plsc.subcore_barrier()
    pltpu.sync_copy(acc_sh.at[pl.ds(r0, ROWS_PER_TILE)],
                    out_hbm.at[c, pl.ds(r0, ROWS_PER_TILE)])


def _sc_scatter(xs3, row2d, col2d, zeros):
    mesh = plsc.VectorSubcoreMesh(core_axis_name="c", subcore_axis_name="s")
    return pl.kernel(
        _scat_body,
        out_type=jax.ShapeDtypeStruct((NUM_CORES, N_PAD, D_HALF), jnp.float32),
        mesh=mesh,
        scratch_types=[
            pltpu.VMEM_SHARED((N_PAD, D_HALF), jnp.float32),
            pltpu.VMEM((SC_CHUNKS, CHUNK), jnp.int32),
            pltpu.VMEM((SC_CHUNKS, CHUNK), jnp.int32),
            pltpu.VMEM((NBUF, CHUNK, D_HALF), jnp.float32),
            pltpu.SemaphoreType.DMA((NBUF,)),
            pltpu.SemaphoreType.DMA((NBUF,)),
        ],
        compiler_params=pltpu.CompilerParams(needs_layout_passes=False,
                                             use_tc_tiling_on_sc=False),
    )(xs3, row2d, col2d, zeros)


def _final_body(degp_ref, x_ref, a0_ref, a1_ref, w0_ref, w1_ref, b_ref,
                out_ref):
    acc = jnp.concatenate([a0_ref[0], a1_ref[0]], axis=1)
    tx1 = -_dis_col(degp_ref[...]) * acc
    o = (jnp.dot(x_ref[...], w0_ref[...],
                 preferred_element_type=jnp.float32)
         + jnp.dot(tx1, w1_ref[...],
                   preferred_element_type=jnp.float32)
         + b_ref[...])
    out_ref[...] = jnp.where(o > 0.0, o, jnp.exp(jnp.minimum(o, 0.0)) - 1.0)


def _tc_final(degp, x_pad, acc, W0, W1, b2d):
    grid = (N_PAD // BLK,)
    return pl.pallas_call(
        _final_body,
        grid=grid,
        in_specs=[
            pl.BlockSpec((NUM_CORES, BLK), lambda i: (0, i)),
            pl.BlockSpec((BLK, D_FEAT), lambda i: (i, 0)),
            pl.BlockSpec((1, BLK, D_HALF), lambda i: (0, i, 0)),
            pl.BlockSpec((1, BLK, D_HALF), lambda i: (1, i, 0)),
            pl.BlockSpec((D_FEAT, D_FEAT), lambda i: (0, 0)),
            pl.BlockSpec((D_FEAT, D_FEAT), lambda i: (0, 0)),
            pl.BlockSpec((1, D_FEAT), lambda i: (0, 0)),
        ],
        out_specs=pl.BlockSpec((BLK, D_FEAT), lambda i: (i, 0)),
        out_shape=jax.ShapeDtypeStruct((N_PAD, D_FEAT), jnp.float32),
    )(degp, x_pad, acc, acc, W0, W1, b2d)


@jax.jit
def kernel(x, edge_index, W0, W1, b):
    row = edge_index[0]
    col = edge_index[1]
    pad_e = E_PAD - E_EDGES
    row2d = jnp.concatenate(
        [row, jnp.full((pad_e,), N_NODES, dtype=jnp.int32)]
    ).reshape(E_PAD // CHUNK, CHUNK)
    col2d = jnp.concatenate(
        [col, jnp.full((pad_e,), N_NODES, dtype=jnp.int32)]
    ).reshape(E_PAD // CHUNK, CHUNK)
    x_pad = jnp.pad(x, ((0, N_PAD - N_NODES), (0, 0)))
    zeros = jnp.zeros((N_PAD, D_HALF), dtype=jnp.float32)

    degp = _sc_degree(row2d)
    xs3 = _tc_prep(degp, x_pad)
    acc = _sc_scatter(xs3, row2d, col2d, zeros)
    out_pad = _tc_final(degp, x_pad, acc, W0, W1, b.reshape(1, D_FEAT))
    return out_pad[:N_NODES]

# --- scband reference (transcript-rebuilt; emitter-appended) ---
"""Pipeline reference for scband-dynamic-cheb-net-81123342287582 (READ-ONLY COPY).

The authoritative reference and input builder live on the scoring server;
editing this copy changes nothing except your own understanding.
"""

import jax, jax.numpy as jnp
import numpy as np

N = 10000
E = 320000
D = 128

def setup_inputs(seed: int = 0) -> dict:
    key = jax.random.key(seed)
    k1, k2, k3, k4, k5 = jax.random.split(key, 5)
    x = jax.random.normal(k1, (N, D), dtype=jnp.float32)
    edge_index = jax.random.randint(k2, (2, E), 0, N, dtype=jnp.int32)
    scale = 1.0 / np.sqrt(D)
    W0 = jax.random.normal(k3, (D, D), dtype=jnp.float32) * scale
    W1 = jax.random.normal(k4, (D, D), dtype=jnp.float32) * scale
    b = jax.random.normal(k5, (D,), dtype=jnp.float32) * 0.01
    return {"x": x, "edge_index": edge_index, "W0": W0, "W1": W1, "b": b}

def _cheb_norm(edge_index, num_nodes):
    # Symmetric-normalized Laplacian rescaled by 2/lambda_max with lambda_max=2.
    # Off-diagonal weights: -D^{-1/2} A D^{-1/2}; diagonal becomes exactly 0.
    row = edge_index[0]
    col = edge_index[1]
    ones = jnp.ones(row.shape[0], dtype=jnp.float32)
    deg = jax.ops.segment_sum(ones, row, num_segments=num_nodes)
    deg_inv_sqrt = jnp.where(deg > 0, 1.0 / jnp.sqrt(deg), 0.0)
    w = -deg_inv_sqrt[row] * deg_inv_sqrt[col]
    return row, col, w

def reference(x, edge_index, W0, W1, b):
    # DynamicChebNet with conv_channels=[128,128], K=2, single ChebConv layer.
    # Dropout is identity in eval mode.
    row, col, w = _cheb_norm(edge_index, N)
    Tx_0 = x
    # Tx_1 = L_hat @ x  via gather + scatter-add (SparseCore-friendly)
    Tx_1 = jax.ops.segment_sum(w[:, None] * x[col], row, num_segments=N)
    out = Tx_0 @ W0 + Tx_1 @ W1 + b
    return jax.nn.elu(out)

if __name__ == "__main__":
    import jax
    _d = setup_inputs()
    print(jax.jit(kernel)(*tuple(_d.values())))

</pallas_src>

<mosaic_0001>
#map = affine_map<(d0, d1) -> (0, 0)>
module attributes {stable_mosaic.version = 14 : i64} {
  func.func @_deg_body(%arg0: i32, %arg1: i32, %arg2: memref<2560x128xi32, #tpu.memory_space<hbm>>, %arg3: memref<2x10240xf32, #tpu.memory_space<hbm>>, %arg4: memref<10240xf32, #tpu.memory_space<vmem_shared>>, %arg5: memref<640xf32, #tpu.memory_space<vmem>>, %arg6: memref<80x128xi32, #tpu.memory_space<vmem>>, %arg7: memref<128xf32, #tpu.memory_space<vmem>>, %arg8: memref<!tpu.dma_semaphore, #tpu.memory_space<semaphore_mem>>) attributes {dimension_semantics = [#tpu.dimension_semantics<core_parallel>, #tpu.dimension_semantics<subcore_parallel>], iteration_bounds = array<i64: 2, 16>, scalar_prefetch = 0 : i64, scratch_operands = 5 : i64, tpu.core_type = #tpu.core_type<sc_vector_subcore>, window_params = [{transform_indices = #map}, {transform_indices = #map}]} {
    %mul3A = arith.constant 16 : i32
    %mul3A_0 = arith.muli %arg0, %mul3A : i32
    %add3A = arith.addi %mul3A_0, %arg1 : i32
    %mul3A_1 = arith.constant 640 : i32
    %mul3A_2 = arith.muli %arg1, %mul3A_1 : i32
    %broadcast_in_dim3A = arith.constant 0.000000e+00 : f32
    %broadcast_in_dim3A_3 = vector.broadcast %broadcast_in_dim3A : f32 to vector<16xf32>
    %scan3A = arith.constant 0 : i32
    %scan3A_4 = arith.constant 0 : i32
    %scan3A_5 = arith.constant 40 : i32
    %scan3A_6 = arith.addi %scan3A_4, %scan3A_5 : i32
    %scan3A_7 = arith.constant 1 : i32
    %scan3A_8 = scf.for %scan3A_51 = %scan3A_4 to %scan3A_6 step %scan3A_7 iter_args(%scan3A_52 = %scan3A) -> (i32)  : i32 {
      %mul3A_53 = arith.constant 16 : i32
      %mul3A_54 = arith.muli %scan3A_51, %mul3A_53 : i32
      %swap3A_55 = arith.index_cast %mul3A_54 : i32 to index
      %swap3A_56 = tpu.vector_load %arg5[%swap3A_55] {strides = array<i32>} : memref<640xf32, #tpu.memory_space<vmem>>, vector<16xf32>,
      tpu.vector_store %arg5[%swap3A_55], %broadcast_in_dim3A_3 {strides = array<i32>} : memref<640xf32, #tpu.memory_space<vmem>>, vector<16xf32>,
      %scan3A_57 = arith.constant 0 : i32
      scf.yield %scan3A_57 : i32
    }
    %scan3A_9 = arith.constant 40 : i32
    %broadcast_in_dim3A_10 = arith.constant 1.000000e+00 : f32
    %broadcast_in_dim3A_11 = vector.broadcast %broadcast_in_dim3A_10 : f32 to vector<16xf32>
    %swap3A = arith.constant 0 : index
    %swap3A_12 = tpu.vector_load %arg7[%swap3A] {strides = array<i32>} : memref<128xf32, #tpu.memory_space<vmem>>, vector<16xf32>,
    tpu.vector_store %arg7[%swap3A], %broadcast_in_dim3A_11 {strides = array<i32>} : memref<128xf32, #tpu.memory_space<vmem>>, vector<16xf32>,
    %broadcast_in_dim3A_13 = arith.constant 1.000000e+00 : f32
    %broadcast_in_dim3A_14 = vector.broadcast %broadcast_in_dim3A_13 : f32 to vector<16xf32>
    %swap3A_15 = arith.constant 16 : index
    %swap3A_16 = tpu.vector_load %arg7[%swap3A_15] {strides = array<i32>} : memref<128xf32, #tpu.memory_space<vmem>>, vector<16xf32>,
    tpu.vector_store %arg7[%swap3A_15], %broadcast_in_dim3A_14 {strides = array<i32>} : memref<128xf32, #tpu.memory_space<vmem>>, vector<16xf32>,
    %broadcast_in_dim3A_17 = arith.constant 1.000000e+00 : f32
    %broadcast_in_dim3A_18 = vector.broadcast %broadcast_in_dim3A_17 : f32 to vector<16xf32>
    %swap3A_19 = arith.constant 32 : index
    %swap3A_20 = tpu.vector_load %arg7[%swap3A_19] {strides = array<i32>} : memref<128xf32, #tpu.memory_space<vmem>>, vector<16xf32>,
    tpu.vector_store %arg7[%swap3A_19], %broadcast_in_dim3A_18 {strides = array<i32>} : memref<128xf32, #tpu.memory_space<vmem>>, vector<16xf32>,
    %broadcast_in_dim3A_21 = arith.constant 1.000000e+00 : f32
    %broadcast_in_dim3A_22 = vector.broadcast %broadcast_in_dim3A_21 : f32 to vector<16xf32>
    %swap3A_23 = arith.constant 48 : index
    %swap3A_24 = tpu.vector_load %arg7[%swap3A_23] {strides = array<i32>} : memref<128xf32, #tpu.memory_space<vmem>>, vector<16xf32>,
    tpu.vector_store %arg7[%swap3A_23], %broadcast_in_dim3A_22 {strides = array<i32>} : memref<128xf32, #tpu.memory_space<vmem>>, vector<16xf32>,
    %broadcast_in_dim3A_25 = arith.constant 1.000000e+00 : f32
    %broadcast_in_dim3A_26 = vector.broadcast %broadcast_in_dim3A_25 : f32 to vector<16xf32>
    %swap3A_27 = arith.constant 64 : index
    %swap3A_28 = tpu.vector_load %arg7[%swap3A_27] {strides = array<i32>} : memref<128xf32, #tpu.memory_space<vmem>>, vector<16xf32>,
    tpu.vector_store %arg7[%swap3A_27], %broadcast_in_dim3A_26 {strides = array<i32>} : memref<128xf32, #tpu.memory_space<vmem>>, vector<16xf32>,
    %broadcast_in_dim3A_29 = arith.constant 1.000000e+00 : f32
    %broadcast_in_dim3A_30 = vector.broadcast %broadcast_in_dim3A_29 : f32 to vector<16xf32>
    %swap3A_31 = arith.constant 80 : index
    %swap3A_32 = tpu.vector_load %arg7[%swap3A_31] {strides = array<i32>} : memref<128xf32, #tpu.memory_space<vmem>>, vector<16xf32>,
    tpu.vector_store %arg7[%swap3A_31], %broadcast_in_dim3A_30 {strides = array<i32>} : memref<128xf32, #tpu.memory_space<vmem>>, vector<16xf32>,
    %broadcast_in_dim3A_33 = arith.constant 1.000000e+00 : f32
    %broadcast_in_dim3A_34 = vector.broadcast %broadcast_in_dim3A_33 : f32 to vector<16xf32>
    %swap3A_35 = arith.constant 96 : index
    %swap3A_36 = tpu.vector_load %arg7[%swap3A_35] {strides = array<i32>} : memref<128xf32, #tpu.memory_space<vmem>>, vector<16xf32>,
    tpu.vector_store %arg7[%swap3A_35], %broadcast_in_dim3A_34 {strides = array<i32>} : memref<128xf32, #tpu.memory_space<vmem>>, vector<16xf32>,
    %broadcast_in_dim3A_37 = arith.constant 1.000000e+00 : f32
    %broadcast_in_dim3A_38 = vector.broadcast %broadcast_in_dim3A_37 : f32 to vector<16xf32>
    %swap3A_39 = arith.constant 112 : index
    %swap3A_40 = tpu.vector_load %arg7[%swap3A_39] {strides = array<i32>} : memref<128xf32, #tpu.memory_space<vmem>>, vector<16xf32>,
    tpu.vector_store %arg7[%swap3A_39], %broadcast_in_dim3A_38 {strides = array<i32>} : memref<128xf32, #tpu.memory_space<vmem>>, vector<16xf32>,
    "tpu.region"() ({
      %run_scoped3A = tpu.sem_alloc : memref<!tpu.dma_semaphore, #tpu.memory_space<semaphore_mem>>
      %dma_start3A = tpu.memref_slice %arg4[%mul3A_2] : memref<10240xf32, #tpu.memory_space<vmem_shared>> -> memref<640xf32, #tpu.memory_space<vmem_shared>>
      %dma_start3A_51 = tpu.memref_slice %arg4[%mul3A_2] : memref<10240xf32, #tpu.memory_space<vmem_shared>> -> memref<640xf32, #tpu.memory_space<vmem_shared>>
      tpu.enqueue_dma source(%arg5 : memref<640xf32, #tpu.memory_space<vmem>>) target(%dma_start3A_51 : memref<640xf32, #tpu.memory_space<vmem_shared>>) target_semaphore(%run_scoped3A : memref<!tpu.dma_semaphore, #tpu.memory_space<semaphore_mem>>)
      %dma_wait3A = tpu.memref_slice %arg4[%mul3A_2] : memref<10240xf32, #tpu.memory_space<vmem_shared>> -> memref<640xf32, #tpu.memory_space<vmem_shared>>
      %dma_wait3A_52 = tpu.memref_slice %arg4[%mul3A_2] : memref<10240xf32, #tpu.memory_space<vmem_shared>> -> memref<640xf32, #tpu.memory_space<vmem_shared>>
      tpu.wait_dma2 semaphore(%run_scoped3A : memref<!tpu.dma_semaphore, #tpu.memory_space<semaphore_mem>>) src(%arg5 : memref<640xf32, #tpu.memory_space<vmem>>) dst(%dma_wait3A_52 : memref<640xf32, #tpu.memory_space<vmem_shared>>)
      tpu.yield
    }) : () -> ()
    %mul3A_41 = arith.constant 80 : i32
    %mul3A_42 = arith.muli %add3A, %mul3A_41 : i32
    "tpu.region"() ({
      %run_scoped3A = tpu.sem_alloc : memref<!tpu.dma_semaphore, #tpu.memory_space<semaphore_mem>>
      %dma_start3A = arith.constant 0 : i32
      %dma_start3A_51 = tpu.memref_slice %arg2[%mul3A_42, %dma_start3A] : memref<2560x128xi32, #tpu.memory_space<hbm>> -> memref<80x128xi32, #tpu.memory_space<hbm>>
      %dma_start3A_52 = arith.constant 0 : i32
      %dma_start3A_53 = tpu.memref_slice %arg2[%mul3A_42, %dma_start3A_52] : memref<2560x128xi32, #tpu.memory_space<hbm>> -> memref<80x128xi32, #tpu.memory_space<hbm>>
      tpu.enqueue_dma source(%dma_start3A_53 : memref<80x128xi32, #tpu.memory_space<hbm>>) target(%arg6 : memref<80x128xi32, #tpu.memory_space<vmem>>) target_semaphore(%run_scoped3A : memref<!tpu.dma_semaphore, #tpu.memory_space<semaphore_mem>>)
      %dma_wait3A = arith.constant 0 : i32
      %dma_wait3A_54 = tpu.memref_slice %arg2[%mul3A_42, %dma_wait3A] : memref<2560x128xi32, #tpu.memory_space<hbm>> -> memref<80x128xi32, #tpu.memory_space<hbm>>
      %dma_wait3A_55 = arith.constant 0 : i32
      %dma_wait3A_56 = tpu.memref_slice %arg2[%mul3A_42, %dma_wait3A_55] : memref<2560x128xi32, #tpu.memory_space<hbm>> -> memref<80x128xi32, #tpu.memory_space<hbm>>
      tpu.wait_dma2 semaphore(%run_scoped3A : memref<!tpu.dma_semaphore, #tpu.memory_space<semaphore_mem>>) src(%dma_wait3A_56 : memref<80x128xi32, #tpu.memory_space<hbm>>) dst(%arg6 : memref<80x128xi32, #tpu.memory_space<vmem>>)
      tpu.yield
    }) : () -> ()
    %barrier3A = arith.constant 0 : index
    tpu.barrier barrier_id(%barrier3A)
    %scan3A_43 = arith.constant 0 : i32
    %scan3A_44 = arith.constant 0 : i32
    %scan3A_45 = arith.constant 10 : i32
    %scan3A_46 = arith.addi %scan3A_44, %scan3A_45 : i32
    %scan3A_47 = arith.constant 1 : i32
    %scan3A_48 = scf.for %scan3A_51 = %scan3A_44 to %scan3A_46 step %scan3A_47 iter_args(%scan3A_52 = %scan3A_43) -> (i32)  : i32 {
      %mul3A_53 = arith.constant 8 : i32
      %mul3A_54 = arith.muli %scan3A_51, %mul3A_53 : i32
      %add3A_55 = arith.constant 0 : i32
      %add3A_56 = arith.addi %mul3A_54, %add3A_55 : i32
      %dma_start3A = arith.constant 0 : i32
      %dma_start3A_57 = tpu.memref_slice %arg6[%add3A_56, %dma_start3A] : memref<80x128xi32, #tpu.memory_space<vmem>> -> memref<1x128xi32, #tpu.memory_space<vmem>>
      %dma_start3A_58 = tpu.memref_squeeze %dma_start3A_57 : memref<1x128xi32, #tpu.memory_space<vmem>> -> memref<128xi32, #tpu.memory_space<vmem>>
      %dma_start3A_59 = arith.constant 0 : i32
      %dma_start3A_60 = tpu.memref_slice %arg4[%dma_start3A_59] : memref<10240xf32, #tpu.memory_space<vmem_shared>> -> memref<10240xf32, #tpu.memory_space<vmem_shared>>
      tpu.enqueue_indirect_dma source(%arg7 : memref<128xf32, #tpu.memory_space<vmem>>) target(%dma_start3A_60 : memref<10240xf32, #tpu.memory_space<vmem_shared>>) offsets(%dma_start3A_58 : memref<128xi32, #tpu.memory_space<vmem>>) semaphore(%arg8 : memref<!tpu.dma_semaphore, #tpu.memory_space<semaphore_mem>>) {add = true}
      %mul3A_61 = arith.constant 8 : i32
      %mul3A_62 = arith.muli %scan3A_51, %mul3A_61 : i32
      %add3A_63 = arith.constant 1 : i32
      %add3A_64 = arith.addi %mul3A_62, %add3A_63 : i32
      %dma_start3A_65 = arith.constant 0 : i32
      %dma_start3A_66 = tpu.memref_slice %arg6[%add3A_64, %dma_start3A_65] : memref<80x128xi32, #tpu.memory_space<vmem>> -> memref<1x128xi32, #tpu.memory_space<vmem>>
      %dma_start3A_67 = tpu.memref_squeeze %dma_start3A_66 : memref<1x128xi32, #tpu.memory_space<vmem>> -> memref<128xi32, #tpu.memory_space<vmem>>
      %dma_start3A_68 = arith.constant 0 : i32
      %dma_start3A_69 = tpu.memref_slice %arg4[%dma_start3A_68] : memref<10240xf32, #tpu.memory_space<vmem_shared>> -> memref<10240xf32, #tpu.memory_space<vmem_shared>>
      tpu.enqueue_indirect_dma source(%arg7 : memref<128xf32, #tpu.memory_space<vmem>>) target(%dma_start3A_69 : memref<10240xf32, #tpu.memory_space<vmem_shared>>) offsets(%dma_start3A_67 : memref<128xi32, #tpu.memory_space<vmem>>) semaphore(%arg8 : memref<!tpu.dma_semaphore, #tpu.memory_space<semaphore_mem>>) {add = true}
      %mul3A_70 = arith.constant 8 : i32
      %mul3A_71 = arith.muli %scan3A_51, %mul3A_70 : i32
      %add3A_72 = arith.constant 2 : i32
      %add3A_73 = arith.addi %mul3A_71, %add3A_72 : i32
      %dma_start3A_74 = arith.constant 0 : i32
      %dma_start3A_75 = tpu.memref_slice %arg6[%add3A_73, %dma_start3A_74] : memref<80x128xi32, #tpu.memory_space<vmem>> -> memref<1x128xi32, #tpu.memory_space<vmem>>
      %dma_start3A_76 = tpu.memref_squeeze %dma_start3A_75 : memref<1x128xi32, #tpu.memory_space<vmem>> -> memref<128xi32, #tpu.memory_space<vmem>>
      %dma_start3A_77 = arith.constant 0 : i32
      %dma_start3A_78 = tpu.memref_slice %arg4[%dma_start3A_77] : memref<10240xf32, #tpu.memory_space<vmem_shared>> -> memref<10240xf32, #tpu.memory_space<vmem_shared>>
      tpu.enqueue_indirect_dma source(%arg7 : memref<128xf32, #tpu.memory_space<vmem>>) target(%dma_start3A_78 : memref<10240xf32, #tpu.memory_space<vmem_shared>>) offsets(%dma_start3A_76 : memref<128xi32, #tpu.memory_space<vmem>>) semaphore(%arg8 : memref<!tpu.dma_semaphore, #tpu.memory_space<semaphore_mem>>) {add = true}
      %mul3A_79 = arith.constant 8 : i32
      %mul3A_80 = arith.muli %scan3A_51, %mul3A_79 : i32
      %add3A_81 = arith.constant 3 : i32
      %add3A_82 = arith.addi %mul3A_80, %add3A_81 : i32
      %dma_start3A_83 = arith.constant 0 : i32
      %dma_start3A_84 = tpu.memref_slice %arg6[%add3A_82, %dma_start3A_83] : memref<80x128xi32, #tpu.memory_space<vmem>> -> memref<1x128xi32, #tpu.memory_space<vmem>>
      %dma_start3A_85 = tpu.memref_squeeze %dma_start3A_84 : memref<1x128xi32, #tpu.memory_space<vmem>> -> memref<128xi32, #tpu.memory_space<vmem>>
      %dma_start3A_86 = arith.constant 0 : i32
      %dma_start3A_87 = tpu.memref_slice %arg4[%dma_start3A_86] : memref<10240xf32, #tpu.memory_space<vmem_shared>> -> memref<10240xf32, #tpu.memory_space<vmem_shared>>
      tpu.enqueue_indirect_dma source(%arg7 : memref<128xf32, #tpu.memory_space<vmem>>) target(%dma_start3A_87 : memref<10240xf32, #tpu.memory_space<vmem_shared>>) offsets(%dma_start3A_85 : memref<128xi32, #tpu.memory_space<vmem>>) semaphore(%arg8 : memref<!tpu.dma_semaphore, #tpu.memory_space<semaphore_mem>>) {add = true}
      %mul3A_88 = arith.constant 8 : i32
      %mul3A_89 = arith.muli %scan3A_51, %mul3A_88 : i32
      %add3A_90 = arith.constant 4 : i32
      %add3A_91 = arith.addi %mul3A_89, %add3A_90 : i32
      %dma_start3A_92 = arith.constant 0 : i32
      %dma_start3A_93 = tpu.memref_slice %arg6[%add3A_91, %dma_start3A_92] : memref<80x128xi32, #tpu.memory_space<vmem>> -> memref<1x128xi32, #tpu.memory_space<vmem>>
      %dma_start3A_94 = tpu.memref_squeeze %dma_start3A_93 : memref<1x128xi32, #tpu.memory_space<vmem>> -> memref<128xi32, #tpu.memory_space<vmem>>
      %dma_start3A_95 = arith.constant 0 : i32
      %dma_start3A_96 = tpu.memref_slice %arg4[%dma_start3A_95] : memref<10240xf32, #tpu.memory_space<vmem_shared>> -> memref<10240xf32, #tpu.memory_space<vmem_shared>>
      tpu.enqueue_indirect_dma source(%arg7 : memref<128xf32, #tpu.memory_space<vmem>>) target(%dma_start3A_96 : memref<10240xf32, #tpu.memory_space<vmem_shared>>) offsets(%dma_start3A_94 : memref<128xi32, #tpu.memory_space<vmem>>) semaphore(%arg8 : memref<!tpu.dma_semaphore, #tpu.memory_space<semaphore_mem>>) {add = true}
      %mul3A_97 = arith.constant 8 : i32
      %mul3A_98 = arith.muli %scan3A_51, %mul3A_97 : i32
      %add3A_99 = arith.constant 5 : i32
      %add3A_100 = arith.addi %mul3A_98, %add3A_99 : i32
      %dma_start3A_101 = arith.constant 0 : i32
      %dma_start3A_102 = tpu.memref_slice %arg6[%add3A_100, %dma_start3A_101] : memref<80x128xi32, #tpu.memory_space<vmem>> -> memref<1x128xi32, #tpu.memory_space<vmem>>
      %dma_start3A_103 = tpu.memref_squeeze %dma_start3A_102 : memref<1x128xi32, #tpu.memory_space<vmem>> -> memref<128xi32, #tpu.memory_space<vmem>>
      %dma_start3A_104 = arith.constant 0 : i32
      %dma_start3A_105 = tpu.memref_slice %arg4[%dma_start3A_104] : memref<10240xf32, #tpu.memory_space<vmem_shared>> -> memref<10240xf32, #tpu.memory_space<vmem_shared>>
      tpu.enqueue_indirect_dma source(%arg7 : memref<128xf32, #tpu.memory_space<vmem>>) target(%dma_start3A_105 : memref<10240xf32, #tpu.memory_space<vmem_shared>>) offsets(%dma_start3A_103 : memref<128xi32, #tpu.memory_space<vmem>>) semaphore(%arg8 : memref<!tpu.dma_semaphore, #tpu.memory_space<semaphore_mem>>) {add = true}
      %mul3A_106 = arith.constant 8 : i32
      %mul3A_107 = arith.muli %scan3A_51, %mul3A_106 : i32
      %add3A_108 = arith.constant 6 : i32
      %add3A_109 = arith.addi %mul3A_107, %add3A_108 : i32
      %dma_start3A_110 = arith.constant 0 : i32
      %dma_start3A_111 = tpu.memref_slice %arg6[%add3A_109, %dma_start3A_110] : memref<80x128xi32, #tpu.memory_space<vmem>> -> memref<1x128xi32, #tpu.memory_space<vmem>>
      %dma_start3A_112 = tpu.memref_squeeze %dma_start3A_111 : memref<1x128xi32, #tpu.memory_space<vmem>> -> memref<128xi32, #tpu.memory_space<vmem>>
      %dma_start3A_113 = arith.constant 0 : i32
      %dma_start3A_114 = tpu.memref_slice %arg4[%dma_start3A_113] : memref<10240xf32, #tpu.memory_space<vmem_shared>> -> memref<10240xf32, #tpu.memory_space<vmem_shared>>
      tpu.enqueue_indirect_dma source(%arg7 : memref<128xf32, #tpu.memory_space<vmem>>) target(%dma_start3A_114 : memref<10240xf32, #tpu.memory_space<vmem_shared>>) offsets(%dma_start3A_112 : memref<128xi32, #tpu.memory_space<vmem>>) semaphore(%arg8 : memref<!tpu.dma_semaphore, #tpu.memory_space<semaphore_mem>>) {add = true}
      %mul3A_115 = arith.constant 8 : i32
      %mul3A_116 = arith.muli %scan3A_51, %mul3A_115 : i32
      %add3A_117 = arith.constant 7 : i32
      %add3A_118 = arith.addi %mul3A_116, %add3A_117 : i32
      %dma_start3A_119 = arith.constant 0 : i32
      %dma_start3A_120 = tpu.memref_slice %arg6[%add3A_118, %dma_start3A_119] : memref<80x128xi32, #tpu.memory_space<vmem>> -> memref<1x128xi32, #tpu.memory_space<vmem>>
      %dma_start3A_121 = tpu.memref_squeeze %dma_start3A_120 : memref<1x128xi32, #tpu.memory_space<vmem>> -> memref<128xi32, #tpu.memory_space<vmem>>
      %dma_start3A_122 = arith.constant 0 : i32
      %dma_start3A_123 = tpu.memref_slice %arg4[%dma_start3A_122] : memref<10240xf32, #tpu.memory_space<vmem_shared>> -> memref<10240xf32, #tpu.memory_space<vmem_shared>>
      tpu.enqueue_indirect_dma source(%arg7 : memref<128xf32, #tpu.memory_space<vmem>>) target(%dma_start3A_123 : memref<10240xf32, #tpu.memory_space<vmem_shared>>) offsets(%dma_start3A_121 : memref<128xi32, #tpu.memory_space<vmem>>) semaphore(%arg8 : memref<!tpu.dma_semaphore, #tpu.memory_space<semaphore_mem>>) {add = true}
      %dma_wait3A = arith.constant 0 : i32
      %dma_wait3A_124 = tpu.memref_slice %arg6[%add3A_56, %dma_wait3A] : memref<80x128xi32, #tpu.memory_space<vmem>> -> memref<1x128xi32, #tpu.memory_space<vmem>>
      %dma_wait3A_125 = tpu.memref_squeeze %dma_wait3A_124 : memref<1x128xi32, #tpu.memory_space<vmem>> -> memref<128xi32, #tpu.memory_space<vmem>>
      %dma_wait3A_126 = arith.constant 0 : i32
      %dma_wait3A_127 = tpu.memref_slice %arg4[%dma_wait3A_126] : memref<10240xf32, #tpu.memory_space<vmem_shared>> -> memref<10240xf32, #tpu.memory_space<vmem_shared>>
      tpu.wait_indirect_dma semaphore(%arg8 : memref<!tpu.dma_semaphore, #tpu.memory_space<semaphore_mem>>) src(%arg7 : memref<128xf32, #tpu.memory_space<vmem>>) dst(%dma_wait3A_127 : memref<10240xf32, #tpu.memory_space<vmem_shared>>)
      %dma_wait3A_128 = arith.constant 0 : i32
      %dma_wait3A_129 = tpu.memref_slice %arg6[%add3A_64, %dma_wait3A_128] : memref<80x128xi32, #tpu.memory_space<vmem>> -> memref<1x128xi32, #tpu.memory_space<vmem>>
      %dma_wait3A_130 = tpu.memref_squeeze %dma_wait3A_129 : memref<1x128xi32, #tpu.memory_space<vmem>> -> memref<128xi32, #tpu.memory_space<vmem>>
      %dma_wait3A_131 = arith.constant 0 : i32
      %dma_wait3A_132 = tpu.memref_slice %arg4[%dma_wait3A_131] : memref<10240xf32, #tpu.memory_space<vmem_shared>> -> memref<10240xf32, #tpu.memory_space<vmem_shared>>
      tpu.wait_indirect_dma semaphore(%arg8 : memref<!tpu.dma_semaphore, #tpu.memory_space<semaphore_mem>>) src(%arg7 : memref<128xf32, #tpu.memory_space<vmem>>) dst(%dma_wait3A_132 : memref<10240xf32, #tpu.memory_space<vmem_shared>>)
      %dma_wait3A_133 = arith.constant 0 : i32
      %dma_wait3A_134 = tpu.memref_slice %arg6[%add3A_73, %dma_wait3A_133] : memref<80x128xi32, #tpu.memory_space<vmem>> -> memref<1x128xi32, #tpu.memory_space<vmem>>
      %dma_wait3A_135 = tpu.memref_squeeze %dma_wait3A_134 : memref<1x128xi32, #tpu.memory_space<vmem>> -> memref<128xi32, #tpu.memory_space<vmem>>
      %dma_wait3A_136 = arith.constant 0 : i32
      %dma_wait3A_137 = tpu.memref_slice %arg4[%dma_wait3A_136] : memref<10240xf32, #tpu.memory_space<vmem_shared>> -> memref<10240xf32, #tpu.memory_space<vmem_shared>>
      tpu.wait_indirect_dma semaphore(%arg8 : memref<!tpu.dma_semaphore, #tpu.memory_space<semaphore_mem>>) src(%arg7 : memref<128xf32, #tpu.memory_space<vmem>>) dst(%dma_wait3A_137 : memref<10240xf32, #tpu.memory_space<vmem_shared>>)
      %dma_wait3A_138 = arith.constant 0 : i32
      %dma_wait3A_139 = tpu.memref_slice %arg6[%add3A_82, %dma_wait3A_138] : memref<80x128xi32, #tpu.memory_space<vmem>> -> memref<1x128xi32, #tpu.memory_space<vmem>>
      %dma_wait3A_140 = tpu.memref_squeeze %dma_wait3A_139 : memref<1x128xi32, #tpu.memory_space<vmem>> -> memref<128xi32, #tpu.memory_space<vmem>>
      %dma_wait3A_141 = arith.constant 0 : i32
      %dma_wait3A_142 = tpu.memref_slice %arg4[%dma_wait3A_141] : memref<10240xf32, #tpu.memory_space<vmem_shared>> -> memref<10240xf32, #tpu.memory_space<vmem_shared>>
      tpu.wait_indirect_dma semaphore(%arg8 : memref<!tpu.dma_semaphore, #tpu.memory_space<semaphore_mem>>) src(%arg7 : memref<128xf32, #tpu.memory_space<vmem>>) dst(%dma_wait3A_142 : memref<10240xf32, #tpu.memory_space<vmem_shared>>)
      %dma_wait3A_143 = arith.constant 0 : i32
      %dma_wait3A_144 = tpu.memref_slice %arg6[%add3A_91, %dma_wait3A_143] : memref<80x128xi32, #tpu.memory_space<vmem>> -> memref<1x128xi32, #tpu.memory_space<vmem>>
      %dma_wait3A_145 = tpu.memref_squeeze %dma_wait3A_144 : memref<1x128xi32, #tpu.memory_space<vmem>> -> memref<128xi32, #tpu.memory_space<vmem>>
      %dma_wait3A_146 = arith.constant 0 : i32
      %dma_wait3A_147 = tpu.memref_slice %arg4[%dma_wait3A_146] : memref<10240xf32, #tpu.memory_space<vmem_shared>> -> memref<10240xf32, #tpu.memory_space<vmem_shared>>
      tpu.wait_indirect_dma semaphore(%arg8 : memref<!tpu.dma_semaphore, #tpu.memory_space<semaphore_mem>>) src(%arg7 : memref<128xf32, #tpu.memory_space<vmem>>) dst(%dma_wait3A_147 : memref<10240xf32, #tpu.memory_space<vmem_shared>>)
      %dma_wait3A_148 = arith.constant 0 : i32
      %dma_wait3A_149 = tpu.memref_slice %arg6[%add3A_100, %dma_wait3A_148] : memref<80x128xi32, #tpu.memory_space<vmem>> -> memref<1x128xi32, #tpu.memory_space<vmem>>
      %dma_wait3A_150 = tpu.memref_squeeze %dma_wait3A_149 : memref<1x128xi32, #tpu.memory_space<vmem>> -> memref<128xi32, #tpu.memory_space<vmem>>
      %dma_wait3A_151 = arith.constant 0 : i32
      %dma_wait3A_152 = tpu.memref_slice %arg4[%dma_wait3A_151] : memref<10240xf32, #tpu.memory_space<vmem_shared>> -> memref<10240xf32, #tpu.memory_space<vmem_shared>>
      tpu.wait_indirect_dma semaphore(%arg8 : memref<!tpu.dma_semaphore, #tpu.memory_space<semaphore_mem>>) src(%arg7 : memref<128xf32, #tpu.memory_space<vmem>>) dst(%dma_wait3A_152 : memref<10240xf32, #tpu.memory_space<vmem_shared>>)
      %dma_wait3A_153 = arith.constant 0 : i32
      %dma_wait3A_154 = tpu.memref_slice %arg6[%add3A_109, %dma_wait3A_153] : memref<80x128xi32, #tpu.memory_space<vmem>> -> memref<1x128xi32, #tpu.memory_space<vmem>>
      %dma_wait3A_155 = tpu.memref_squeeze %dma_wait3A_154 : memref<1x128xi32, #tpu.memory_space<vmem>> -> memref<128xi32, #tpu.memory_space<vmem>>
      %dma_wait3A_156 = arith.constant 0 : i32
      %dma_wait3A_157 = tpu.memref_slice %arg4[%dma_wait3A_156] : memref<10240xf32, #tpu.memory_space<vmem_shared>> -> memref<10240xf32, #tpu.memory_space<vmem_shared>>
      tpu.wait_indirect_dma semaphore(%arg8 : memref<!tpu.dma_semaphore, #tpu.memory_space<semaphore_mem>>) src(%arg7 : memref<128xf32, #tpu.memory_space<vmem>>) dst(%dma_wait3A_157 : memref<10240xf32, #tpu.memory_space<vmem_shared>>)
      %dma_wait3A_158 = arith.constant 0 : i32
      %dma_wait3A_159 = tpu.memref_slice %arg6[%add3A_118, %dma_wait3A_158] : memref<80x128xi32, #tpu.memory_space<vmem>> -> memref<1x128xi32, #tpu.memory_space<vmem>>
      %dma_wait3A_160 = tpu.memref_squeeze %dma_wait3A_159 : memref<1x128xi32, #tpu.memory_space<vmem>> -> memref<128xi32, #tpu.memory_space<vmem>>
      %dma_wait3A_161 = arith.constant 0 : i32
      %dma_wait3A_162 = tpu.memref_slice %arg4[%dma_wait3A_161] : memref<10240xf32, #tpu.memory_space<vmem_shared>> -> memref<10240xf32, #tpu.memory_space<vmem_shared>>
      tpu.wait_indirect_dma semaphore(%arg8 : memref<!tpu.dma_semaphore, #tpu.memory_space<semaphore_mem>>) src(%arg7 : memref<128xf32, #tpu.memory_space<vmem>>) dst(%dma_wait3A_162 : memref<10240xf32, #tpu.memory_space<vmem_shared>>)
      %scan3A_163 = arith.constant 0 : i32
      scf.yield %scan3A_163 : i32
    }
    %scan3A_49 = arith.constant 10 : i32
    %barrier3A_50 = arith.constant 0 : index
    tpu.barrier barrier_id(%barrier3A_50)
    "tpu.region"() ({
      %run_scoped3A = tpu.sem_alloc : memref<!tpu.dma_semaphore, #tpu.memory_space<semaphore_mem>>
      %dma_start3A = tpu.memref_slice %arg3[%arg0, %mul3A_2] : memref<2x10240xf32, #tpu.memory_space<hbm>> -> memref<1x640xf32, #tpu.memory_space<hbm>>
      %dma_start3A_51 = tpu.memref_squeeze %dma_start3A : memref<1x640xf32, #tpu.memory_space<hbm>> -> memref<640xf32, #tpu.memory_space<hbm>>
      %dma_start3A_52 = tpu.memref_slice %arg4[%mul3A_2] : memref<10240xf32, #tpu.memory_space<vmem_shared>> -> memref<640xf32, #tpu.memory_space<vmem_shared>>
      tpu.enqueue_dma source(%dma_start3A_52 : memref<640xf32, #tpu.memory_space<vmem_shared>>) target(%dma_start3A_51 : memref<640xf32, #tpu.memory_space<hbm>>) target_semaphore(%run_scoped3A : memref<!tpu.dma_semaphore, #tpu.memory_space<semaphore_mem>>)
      %dma_wait3A = tpu.memref_slice %arg3[%arg0, %mul3A_2] : memref<2x10240xf32, #tpu.memory_space<hbm>> -> memref<1x640xf32, #tpu.memory_space<hbm>>
      %dma_wait3A_53 = tpu.memref_squeeze %dma_wait3A : memref<1x640xf32, #tpu.memory_space<hbm>> -> memref<640xf32, #tpu.memory_space<hbm>>
      %dma_wait3A_54 = tpu.memref_slice %arg4[%mul3A_2] : memref<10240xf32, #tpu.memory_space<vmem_shared>> -> memref<640xf32, #tpu.memory_space<vmem_shared>>
      tpu.wait_dma2 semaphore(%run_scoped3A : memref<!tpu.dma_semaphore, #tpu.memory_space<semaphore_mem>>) src(%dma_wait3A_54 : memref<640xf32, #tpu.memory_space<vmem_shared>>) dst(%dma_wait3A_53 : memref<640xf32, #tpu.memory_space<hbm>>)
      tpu.yield
    }) : () -> ()
    return
  }
}

#map = affine_map<(d0, d1) -> (0, 0, 0)>
#map1 = affine_map<(d0, d1) -> (0, 0)>
module attributes {stable_mosaic.version = 14 : i64} {
  func.func @_scat_body(%arg0: i32, %arg1: i32, %arg2: memref<2x10240x64xf32, #tpu.memory_space<hbm>>, %arg3: memref<2560x128xi32, #tpu.memory_space<hbm>>, %arg4: memref<2560x128xi32, #tpu.memory_space<hbm>>, %arg5: memref<10240x64xf32, #tpu.memory_space<hbm>>, %arg6: memref<2x10240x64xf32, #tpu.memory_space<hbm>>, %arg7: memref<10240x64xf32, #tpu.memory_space<vmem_shared>>, %arg8: memref<160x128xi32, #tpu.memory_space<vmem>>, %arg9: memref<160x128xi32, #tpu.memory_space<vmem>>, %arg10: memref<5x128x64xf32, #tpu.memory_space<vmem>>, %arg11: memref<5x!tpu.dma_semaphore, #tpu.memory_space<semaphore_mem>>, %arg12: memref<5x!tpu.dma_semaphore, #tpu.memory_space<semaphore_mem>>) attributes {dimension_semantics = [#tpu.dimension_semantics<core_parallel>, #tpu.dimension_semantics<subcore_parallel>], iteration_bounds = array<i64: 2, 16>, scalar_prefetch = 0 : i64, scratch_operands = 6 : i64, tpu.core_type = #tpu.core_type<sc_vector_subcore>, window_params = [{transform_indices = #map}, {transform_indices = #map1}, {transform_indices = #map1}, {transform_indices = #map1}, {transform_indices = #map}]} {
    %mul3A = arith.constant 640 : i32
    %mul3A_0 = arith.muli %arg1, %mul3A : i32
    "tpu.region"() ({
      %run_scoped3A = tpu.sem_alloc : memref<!tpu.dma_semaphore, #tpu.memory_space<semaphore_mem>>
      %dma_start3A_101 = arith.constant 0 : i32
      %dma_start3A_102 = tpu.memref_slice %arg7[%mul3A_0, %dma_start3A_101] : memref<10240x64xf32, #tpu.memory_space<vmem_shared>> -> memref<640x64xf32, #tpu.memory_space<vmem_shared>>
      %dma_start3A_103 = arith.constant 0 : i32
      %dma_start3A_104 = tpu.memref_slice %arg5[%mul3A_0, %dma_start3A_103] : memref<10240x64xf32, #tpu.memory_space<hbm>> -> memref<640x64xf32, #tpu.memory_space<hbm>>
      tpu.enqueue_dma source(%dma_start3A_104 : memref<640x64xf32, #tpu.memory_space<hbm>>) target(%dma_start3A_102 : memref<640x64xf32, #tpu.memory_space<vmem_shared>>) target_semaphore(%run_scoped3A : memref<!tpu.dma_semaphore, #tpu.memory_space<semaphore_mem>>)
      %dma_wait3A_105 = arith.constant 0 : i32
      %dma_wait3A_106 = tpu.memref_slice %arg7[%mul3A_0, %dma_wait3A_105] : memref<10240x64xf32, #tpu.memory_space<vmem_shared>> -> memref<640x64xf32, #tpu.memory_space<vmem_shared>>
      %dma_wait3A_107 = arith.constant 0 : i32
      %dma_wait3A_108 = tpu.memref_slice %arg5[%mul3A_0, %dma_wait3A_107] : memref<10240x64xf32, #tpu.memory_space<hbm>> -> memref<640x64xf32, #tpu.memory_space<hbm>>
      tpu.wait_dma2 semaphore(%run_scoped3A : memref<!tpu.dma_semaphore, #tpu.memory_space<semaphore_mem>>) src(%dma_wait3A_108 : memref<640x64xf32, #tpu.memory_space<hbm>>) dst(%dma_wait3A_106 : memref<640x64xf32, #tpu.memory_space<vmem_shared>>)
      tpu.yield
    }) : () -> ()
    %mul3A_1 = arith.constant 160 : i32
    %mul3A_2 = arith.muli %arg1, %mul3A_1 : i32
    "tpu.region"() ({
      %run_scoped3A = tpu.sem_alloc : memref<!tpu.dma_semaphore, #tpu.memory_space<semaphore_mem>>
      %dma_start3A_101 = arith.constant 0 : i32
      %dma_start3A_102 = tpu.memref_slice %arg4[%mul3A_2, %dma_start3A_101] : memref<2560x128xi32, #tpu.memory_space<hbm>> -> memref<160x128xi32, #tpu.memory_space<hbm>>
      %dma_start3A_103 = arith.constant 0 : i32
      %dma_start3A_104 = tpu.memref_slice %arg4[%mul3A_2, %dma_start3A_103] : memref<2560x128xi32, #tpu.memory_space<hbm>> -> memref<160x128xi32, #tpu.memory_space<hbm>>
      tpu.enqueue_dma source(%dma_start3A_104 : memref<160x128xi32, #tpu.memory_space<hbm>>) target(%arg8 : memref<160x128xi32, #tpu.memory_space<vmem>>) target_semaphore(%run_scoped3A : memref<!tpu.dma_semaphore, #tpu.memory_space<semaphore_mem>>)
      %dma_wait3A_105 = arith.constant 0 : i32
      %dma_wait3A_106 = tpu.memref_slice %arg4[%mul3A_2, %dma_wait3A_105] : memref<2560x128xi32, #tpu.memory_space<hbm>> -> memref<160x128xi32, #tpu.memory_space<hbm>>
      %dma_wait3A_107 = arith.constant 0 : i32
      %dma_wait3A_108 = tpu.memref_slice %arg4[%mul3A_2, %dma_wait3A_107] : memref<2560x128xi32, #tpu.memory_space<hbm>> -> memref<160x128xi32, #tpu.memory_space<hbm>>
      tpu.wait_dma2 semaphore(%run_scoped3A : memref<!tpu.dma_semaphore, #tpu.memory_space<semaphore_mem>>) src(%dma_wait3A_108 : memref<160x128xi32, #tpu.memory_space<hbm>>) dst(%arg8 : memref<160x128xi32, #tpu.memory_space<vmem>>)
      tpu.yield
    }) : () -> ()
    %mul3A_3 = arith.constant 160 : i32
    %mul3A_4 = arith.muli %arg1, %mul3A_3 : i32
    "tpu.region"() ({
      %run_scoped3A = tpu.sem_alloc : memref<!tpu.dma_semaphore, #tpu.memory_space<semaphore_mem>>
      %dma_start3A_101 = arith.constant 0 : i32
      %dma_start3A_102 = tpu.memref_slice %arg3[%mul3A_4, %dma_start3A_101] : memref<2560x128xi32, #tpu.memory_space<hbm>> -> memref<160x128xi32, #tpu.memory_space<hbm>>
      %dma_start3A_103 = arith.constant 0 : i32
      %dma_start3A_104 = tpu.memref_slice %arg3[%mul3A_4, %dma_start3A_103] : memref<2560x128xi32, #tpu.memory_space<hbm>> -> memref<160x128xi32, #tpu.memory_space<hbm>>
      tpu.enqueue_dma source(%dma_start3A_104 : memref<160x128xi32, #tpu.memory_space<hbm>>) target(%arg9 : memref<160x128xi32, #tpu.memory_space<vmem>>) target_semaphore(%run_scoped3A : memref<!tpu.dma_semaphore, #tpu.memory_space<semaphore_mem>>)
      %dma_wait3A_105 = arith.constant 0 : i32
      %dma_wait3A_106 = tpu.memref_slice %arg3[%mul3A_4, %dma_wait3A_105] : memref<2560x128xi32, #tpu.memory_space<hbm>> -> memref<160x128xi32, #tpu.memory_space<hbm>>
      %dma_wait3A_107 = arith.constant 0 : i32
      %dma_wait3A_108 = tpu.memref_slice %arg3[%mul3A_4, %dma_wait3A_107] : memref<2560x128xi32, #tpu.memory_space<hbm>> -> memref<160x128xi32, #tpu.memory_space<hbm>>
      tpu.wait_dma2 semaphore(%run_scoped3A : memref<!tpu.dma_semaphore, #tpu.memory_space<semaphore_mem>>) src(%dma_wait3A_108 : memref<160x128xi32, #tpu.memory_space<hbm>>) dst(%arg9 : memref<160x128xi32, #tpu.memory_space<vmem>>)
      tpu.yield
    }) : () -> ()
    %barrier3A = arith.constant 0 : index
    tpu.barrier barrier_id(%barrier3A)
    %rem3A = arith.constant 0 : i32
    %rem3A_5 = arith.constant 5 : i32
    %rem3A_6 = arith.remsi %rem3A, %rem3A_5 : i32
    %dma_start3A = arith.constant 0 : i32
    %dma_start3A_7 = arith.constant 0 : i32
    %dma_start3A_8 = arith.constant 0 : i32
    %dma_start3A_9 = tpu.memref_slice %arg10[%rem3A_6, %dma_start3A_7, %dma_start3A_8] : memref<5x128x64xf32, #tpu.memory_space<vmem>> -> memref<1x128x64xf32, #tpu.memory_space<vmem>>
    %dma_start3A_10 = tpu.memref_squeeze %dma_start3A_9 : memref<1x128x64xf32, #tpu.memory_space<vmem>> -> memref<128x64xf32, #tpu.memory_space<vmem>>
    %dma_start3A_11 = arith.constant 0 : i32
    %dma_start3A_12 = tpu.memref_slice %arg8[%dma_start3A, %dma_start3A_11] : memref<160x128xi32, #tpu.memory_space<vmem>> -> memref<1x128xi32, #tpu.memory_space<vmem>>
    %dma_start3A_13 = tpu.memref_squeeze %dma_start3A_12 : memref<1x128xi32, #tpu.memory_space<vmem>> -> memref<128xi32, #tpu.memory_space<vmem>>
    %dma_start3A_14 = arith.constant 0 : i32
    %dma_start3A_15 = arith.constant 0 : i32
    %dma_start3A_16 = tpu.memref_slice %arg2[%arg0, %dma_start3A_14, %dma_start3A_15] : memref<2x10240x64xf32, #tpu.memory_space<hbm>> -> memref<1x10240x64xf32, #tpu.memory_space<hbm>>
    %dma_start3A_17 = tpu.memref_squeeze %dma_start3A_16 : memref<1x10240x64xf32, #tpu.memory_space<hbm>> -> memref<10240x64xf32, #tpu.memory_space<hbm>>
    %dma_start3A_18 = arith.constant 0 : i32
    %dma_start3A_19 = arith.constant 0 : i32
    %dma_start3A_20 = tpu.memref_slice %dma_start3A_17[%dma_start3A_18, %dma_start3A_19] : memref<10240x64xf32, #tpu.memory_space<hbm>> -> memref<10240x64xf32, #tpu.memory_space<hbm>>
    %dma_start3A_21 = tpu.memref_slice %arg11[%rem3A_6] : memref<5x!tpu.dma_semaphore, #tpu.memory_space<semaphore_mem>> -> memref<1x!tpu.dma_semaphore, #tpu.memory_space<semaphore_mem>>
    %dma_start3A_22 = tpu.memref_squeeze %dma_start3A_21 : memref<1x!tpu.dma_semaphore, #tpu.memory_space<semaphore_mem>> -> memref<!tpu.dma_semaphore, #tpu.memory_space<semaphore_mem>>
    tpu.enqueue_indirect_dma source(%dma_start3A_20 : memref<10240x64xf32, #tpu.memory_space<hbm>>) target(%dma_start3A_10 : memref<128x64xf32, #tpu.memory_space<vmem>>) offsets(%dma_start3A_13 : memref<128xi32, #tpu.memory_space<vmem>>) semaphore(%dma_start3A_22 : memref<!tpu.dma_semaphore, #tpu.memory_space<semaphore_mem>>)
    %rem3A_23 = arith.constant 1 : i32
    %rem3A_24 = arith.constant 5 : i32
    %rem3A_25 = arith.remsi %rem3A_23, %rem3A_24 : i32
    %dma_start3A_26 = arith.constant 1 : i32
    %dma_start3A_27 = arith.constant 0 : i32
    %dma_start3A_28 = arith.constant 0 : i32
    %dma_start3A_29 = tpu.memref_slice %arg10[%rem3A_25, %dma_start3A_27, %dma_start3A_28] : memref<5x128x64xf32, #tpu.memory_space<vmem>> -> memref<1x128x64xf32, #tpu.memory_space<vmem>>
    %dma_start3A_30 = tpu.memref_squeeze %dma_start3A_29 : memref<1x128x64xf32, #tpu.memory_space<vmem>> -> memref<128x64xf32, #tpu.memory_space<vmem>>
    %dma_start3A_31 = arith.constant 0 : i32
    %dma_start3A_32 = tpu.memref_slice %arg8[%dma_start3A_26, %dma_start3A_31] : memref<160x128xi32, #tpu.memory_space<vmem>> -> memref<1x128xi32, #tpu.memory_space<vmem>>
    %dma_start3A_33 = tpu.memref_squeeze %dma_start3A_32 : memref<1x128xi32, #tpu.memory_space<vmem>> -> memref<128xi32, #tpu.memory_space<vmem>>
    %dma_start3A_34 = arith.constant 0 : i32
    %dma_start3A_35 = arith.constant 0 : i32
    %dma_start3A_36 = tpu.memref_slice %arg2[%arg0, %dma_start3A_34, %dma_start3A_35] : memref<2x10240x64xf32, #tpu.memory_space<hbm>> -> memref<1x10240x64xf32, #tpu.memory_space<hbm>>
    %dma_start3A_37 = tpu.memref_squeeze %dma_start3A_36 : memref<1x10240x64xf32, #tpu.memory_space<hbm>> -> memref<10240x64xf32, #tpu.memory_space<hbm>>
    %dma_start3A_38 = arith.constant 0 : i32
    %dma_start3A_39 = arith.constant 0 : i32
    %dma_start3A_40 = tpu.memref_slice %dma_start3A_37[%dma_start3A_38, %dma_start3A_39] : memref<10240x64xf32, #tpu.memory_space<hbm>> -> memref<10240x64xf32, #tpu.memory_space<hbm>>
    %dma_start3A_41 = tpu.memref_slice %arg11[%rem3A_25] : memref<5x!tpu.dma_semaphore, #tpu.memory_space<semaphore_mem>> -> memref<1x!tpu.dma_semaphore, #tpu.memory_space<semaphore_mem>>
    %dma_start3A_42 = tpu.memref_squeeze %dma_start3A_41 : memref<1x!tpu.dma_semaphore, #tpu.memory_space<semaphore_mem>> -> memref<!tpu.dma_semaphore, #tpu.memory_space<semaphore_mem>>
    tpu.enqueue_indirect_dma source(%dma_start3A_40 : memref<10240x64xf32, #tpu.memory_space<hbm>>) target(%dma_start3A_30 : memref<128x64xf32, #tpu.memory_space<vmem>>) offsets(%dma_start3A_33 : memref<128xi32, #tpu.memory_space<vmem>>) semaphore(%dma_start3A_42 : memref<!tpu.dma_semaphore, #tpu.memory_space<semaphore_mem>>)
    %rem3A_43 = arith.constant 2 : i32
    %rem3A_44 = arith.constant 5 : i32
    %rem3A_45 = arith.remsi %rem3A_43, %rem3A_44 : i32
    %dma_start3A_46 = arith.constant 2 : i32
    %dma_start3A_47 = arith.constant 0 : i32
    %dma_start3A_48 = arith.constant 0 : i32
    %dma_start3A_49 = tpu.memref_slice %arg10[%rem3A_45, %dma_start3A_47, %dma_start3A_48] : memref<5x128x64xf32, #tpu.memory_space<vmem>> -> memref<1x128x64xf32, #tpu.memory_space<vmem>>
    %dma_start3A_50 = tpu.memref_squeeze %dma_start3A_49 : memref<1x128x64xf32, #tpu.memory_space<vmem>> -> memref<128x64xf32, #tpu.memory_space<vmem>>
    %dma_start3A_51 = arith.constant 0 : i32
    %dma_start3A_52 = tpu.memref_slice %arg8[%dma_start3A_46, %dma_start3A_51] : memref<160x128xi32, #tpu.memory_space<vmem>> -> memref<1x128xi32, #tpu.memory_space<vmem>>
    %dma_start3A_53 = tpu.memref_squeeze %dma_start3A_52 : memref<1x128xi32, #tpu.memory_space<vmem>> -> memref<128xi32, #tpu.memory_space<vmem>>
    %dma_start3A_54 = arith.constant 0 : i32
    %dma_start3A_55 = arith.constant 0 : i32
    %dma_start3A_56 = tpu.memref_slice %arg2[%arg0, %dma_start3A_54, %dma_start3A_55] : memref<2x10240x64xf32, #tpu.memory_space<hbm>> -> memref<1x10240x64xf32, #tpu.memory_space<hbm>>
    %dma_start3A_57 = tpu.memref_squeeze %dma_start3A_56 : memref<1x10240x64xf32, #tpu.memory_space<hbm>> -> memref<10240x64xf32, #tpu.memory_space<hbm>>
    %dma_start3A_58 = arith.constant 0 : i32
    %dma_start3A_59 = arith.constant 0 : i32
    %dma_start3A_60 = tpu.memref_slice %dma_start3A_57[%dma_start3A_58, %dma_start3A_59] : memref<10240x64xf32, #tpu.memory_space<hbm>> -> memref<10240x64xf32, #tpu.memory_space<hbm>>
    %dma_start3A_61 = tpu.memref_slice %arg11[%rem3A_45] : memref<5x!tpu.dma_semaphore, #tpu.memory_space<semaphore_mem>> -> memref<1x!tpu.dma_semaphore, #tpu.memory_space<semaphore_mem>>
    %dma_start3A_62 = tpu.memref_squeeze %dma_start3A_61 : memref<1x!tpu.dma_semaphore, #tpu.memory_space<semaphore_mem>> -> memref<!tpu.dma_semaphore, #tpu.memory_space<semaphore_mem>>
    tpu.enqueue_indirect_dma source(%dma_start3A_60 : memref<10240x64xf32, #tpu.memory_space<hbm>>) target(%dma_start3A_50 : memref<128x64xf32, #tpu.memory_space<vmem>>) offsets(%dma_start3A_53 : memref<128xi32, #tpu.memory_space<vmem>>) semaphore(%dma_start3A_62 : memref<!tpu.dma_semaphore, #tpu.memory_space<semaphore_mem>>)
    %scan3A = arith.constant 0 : i32
    %scan3A_63 = arith.constant 0 : i32
    %scan3A_64 = arith.constant 160 : i32
    %scan3A_65 = arith.addi %scan3A_63, %scan3A_64 : i32
    %scan3A_66 = arith.constant 1 : i32
    %scan3A_67 = scf.for %scan3A_101 = %scan3A_63 to %scan3A_65 step %scan3A_66 iter_args(%scan3A_102 = %scan3A) -> (i32)  : i32 {
      %ge3A = arith.constant 2 : i32
      %ge3A_103 = arith.cmpi sge, %scan3A_101, %ge3A : i32
      %convert_element_type3A = arith.extui %ge3A_103 : i1 to i32
      %cond3A = arith.constant 0 : i32
      %cond3A_104 = arith.cmpi ne, %convert_element_type3A, %cond3A : i32
      scf.if %cond3A_104 {
        %sub3A = arith.constant 2 : i32
        %sub3A_143 = arith.subi %scan3A_101, %sub3A : i32
        %rem3A_144 = arith.constant 5 : i32
        %rem3A_145 = arith.remsi %sub3A_143, %rem3A_144 : i32
        %dma_wait3A_146 = arith.constant 0 : i32
        %dma_wait3A_147 = arith.constant 0 : i32
        %dma_wait3A_148 = tpu.memref_slice %arg10[%rem3A_145, %dma_wait3A_146, %dma_wait3A_147] : memref<5x128x64xf32, #tpu.memory_space<vmem>> -> memref<1x128x64xf32, #tpu.memory_space<vmem>>
        %dma_wait3A_149 = tpu.memref_squeeze %dma_wait3A_148 : memref<1x128x64xf32, #tpu.memory_space<vmem>> -> memref<128x64xf32, #tpu.memory_space<vmem>>
        %dma_wait3A_150 = arith.constant 0 : i32
        %dma_wait3A_151 = tpu.memref_slice %arg9[%sub3A_143, %dma_wait3A_150] : memref<160x128xi32, #tpu.memory_space<vmem>> -> memref<1x128xi32, #tpu.memory_space<vmem>>
        %dma_wait3A_152 = tpu.memref_squeeze %dma_wait3A_151 : memref<1x128xi32, #tpu.memory_space<vmem>> -> memref<128xi32, #tpu.memory_space<vmem>>
        %dma_wait3A_153 = arith.constant 0 : i32
        %dma_wait3A_154 = arith.constant 0 : i32
        %dma_wait3A_155 = tpu.memref_slice %arg7[%dma_wait3A_153, %dma_wait3A_154] : memref<10240x64xf32, #tpu.memory_space<vmem_shared>> -> memref<10240x64xf32, #tpu.memory_space<vmem_shared>>
        %dma_wait3A_156 = tpu.memref_slice %arg12[%rem3A_145] : memref<5x!tpu.dma_semaphore, #tpu.memory_space<semaphore_mem>> -> memref<1x!tpu.dma_semaphore, #tpu.memory_space<semaphore_mem>>
        %dma_wait3A_157 = tpu.memref_squeeze %dma_wait3A_156 : memref<1x!tpu.dma_semaphore, #tpu.memory_space<semaphore_mem>> -> memref<!tpu.dma_semaphore, #tpu.memory_space<semaphore_mem>>
        tpu.wait_indirect_dma semaphore(%dma_wait3A_157 : memref<!tpu.dma_semaphore, #tpu.memory_space<semaphore_mem>>) src(%dma_wait3A_149 : memref<128x64xf32, #tpu.memory_space<vmem>>) dst(%dma_wait3A_155 : memref<10240x64xf32, #tpu.memory_space<vmem_shared>>)
      } else {
      }
      %add3A = arith.constant 3 : i32
      %add3A_105 = arith.addi %scan3A_101, %add3A : i32
      %lt3A = arith.constant 160 : i32
      %lt3A_106 = arith.cmpi slt, %add3A_105, %lt3A : i32
      %convert_element_type3A_107 = arith.extui %lt3A_106 : i1 to i32
      %cond3A_108 = arith.constant 0 : i32
      %cond3A_109 = arith.cmpi ne, %convert_element_type3A_107, %cond3A_108 : i32
      scf.if %cond3A_109 {
        %add3A_143 = arith.constant 3 : i32
        %add3A_144 = arith.addi %scan3A_101, %add3A_143 : i32
        %rem3A_145 = arith.constant 5 : i32
        %rem3A_146 = arith.remsi %add3A_144, %rem3A_145 : i32
        %dma_start3A_147 = arith.constant 0 : i32
        %dma_start3A_148 = arith.constant 0 : i32
        %dma_start3A_149 = tpu.memref_slice %arg10[%rem3A_146, %dma_start3A_147, %dma_start3A_148] : memref<5x128x64xf32, #tpu.memory_space<vmem>> -> memref<1x128x64xf32, #tpu.memory_space<vmem>>
        %dma_start3A_150 = tpu.memref_squeeze %dma_start3A_149 : memref<1x128x64xf32, #tpu.memory_space<vmem>> -> memref<128x64xf32, #tpu.memory_space<vmem>>
        %dma_start3A_151 = arith.constant 0 : i32
        %dma_start3A_152 = tpu.memref_slice %arg8[%add3A_144, %dma_start3A_151] : memref<160x128xi32, #tpu.memory_space<vmem>> -> memref<1x128xi32, #tpu.memory_space<vmem>>
        %dma_start3A_153 = tpu.memref_squeeze %dma_start3A_152 : memref<1x128xi32, #tpu.memory_space<vmem>> -> memref<128xi32, #tpu.memory_space<vmem>>
        %dma_start3A_154 = arith.constant 0 : i32
        %dma_start3A_155 = arith.constant 0 : i32
        %dma_start3A_156 = tpu.memref_slice %arg2[%arg0, %dma_start3A_154, %dma_start3A_155] : memref<2x10240x64xf32, #tpu.memory_space<hbm>> -> memref<1x10240x64xf32, #tpu.memory_space<hbm>>
        %dma_start3A_157 = tpu.memref_squeeze %dma_start3A_156 : memref<1x10240x64xf32, #tpu.memory_space<hbm>> -> memref<10240x64xf32, #tpu.memory_space<hbm>>
        %dma_start3A_158 = arith.constant 0 : i32
        %dma_start3A_159 = arith.constant 0 : i32
        %dma_start3A_160 = tpu.memref_slice %dma_start3A_157[%dma_start3A_158, %dma_start3A_159] : memref<10240x64xf32, #tpu.memory_space<hbm>> -> memref<10240x64xf32, #tpu.memory_space<hbm>>
        %dma_start3A_161 = tpu.memref_slice %arg11[%rem3A_146] : memref<5x!tpu.dma_semaphore, #tpu.memory_space<semaphore_mem>> -> memref<1x!tpu.dma_semaphore, #tpu.memory_space<semaphore_mem>>
        %dma_start3A_162 = tpu.memref_squeeze %dma_start3A_161 : memref<1x!tpu.dma_semaphore, #tpu.memory_space<semaphore_mem>> -> memref<!tpu.dma_semaphore, #tpu.memory_space<semaphore_mem>>
        tpu.enqueue_indirect_dma source(%dma_start3A_160 : memref<10240x64xf32, #tpu.memory_space<hbm>>) target(%dma_start3A_150 : memref<128x64xf32, #tpu.memory_space<vmem>>) offsets(%dma_start3A_153 : memref<128xi32, #tpu.memory_space<vmem>>) semaphore(%dma_start3A_162 : memref<!tpu.dma_semaphore, #tpu.memory_space<semaphore_mem>>)
      } else {
      }
      %rem3A_110 = arith.constant 5 : i32
      %rem3A_111 = arith.remsi %scan3A_101, %rem3A_110 : i32
      %dma_wait3A_112 = arith.constant 0 : i32
      %dma_wait3A_113 = arith.constant 0 : i32
      %dma_wait3A_114 = tpu.memref_slice %arg10[%rem3A_111, %dma_wait3A_112, %dma_wait3A_113] : memref<5x128x64xf32, #tpu.memory_space<vmem>> -> memref<1x128x64xf32, #tpu.memory_space<vmem>>
      %dma_wait3A_115 = tpu.memref_squeeze %dma_wait3A_114 : memref<1x128x64xf32, #tpu.memory_space<vmem>> -> memref<128x64xf32, #tpu.memory_space<vmem>>
      %dma_wait3A_116 = arith.constant 0 : i32
      %dma_wait3A_117 = tpu.memref_slice %arg8[%scan3A_101, %dma_wait3A_116] : memref<160x128xi32, #tpu.memory_space<vmem>> -> memref<1x128xi32, #tpu.memory_space<vmem>>
      %dma_wait3A_118 = tpu.memref_squeeze %dma_wait3A_117 : memref<1x128xi32, #tpu.memory_space<vmem>> -> memref<128xi32, #tpu.memory_space<vmem>>
      %dma_wait3A_119 = arith.constant 0 : i32
      %dma_wait3A_120 = arith.constant 0 : i32
      %dma_wait3A_121 = tpu.memref_slice %arg2[%arg0, %dma_wait3A_119, %dma_wait3A_120] : memref<2x10240x64xf32, #tpu.memory_space<hbm>> -> memref<1x10240x64xf32, #tpu.memory_space<hbm>>
      %dma_wait3A_122 = tpu.memref_squeeze %dma_wait3A_121 : memref<1x10240x64xf32, #tpu.memory_space<hbm>> -> memref<10240x64xf32, #tpu.memory_space<hbm>>
      %dma_wait3A_123 = arith.constant 0 : i32
      %dma_wait3A_124 = arith.constant 0 : i32
      %dma_wait3A_125 = tpu.memref_slice %dma_wait3A_122[%dma_wait3A_123, %dma_wait3A_124] : memref<10240x64xf32, #tpu.memory_space<hbm>> -> memref<10240x64xf32, #tpu.memory_space<hbm>>
      %dma_wait3A_126 = tpu.memref_slice %arg11[%rem3A_111] : memref<5x!tpu.dma_semaphore, #tpu.memory_space<semaphore_mem>> -> memref<1x!tpu.dma_semaphore, #tpu.memory_space<semaphore_mem>>
      %dma_wait3A_127 = tpu.memref_squeeze %dma_wait3A_126 : memref<1x!tpu.dma_semaphore, #tpu.memory_space<semaphore_mem>> -> memref<!tpu.dma_semaphore, #tpu.memory_space<semaphore_mem>>
      tpu.wait_indirect_dma semaphore(%dma_wait3A_127 : memref<!tpu.dma_semaphore, #tpu.memory_space<semaphore_mem>>) src(%dma_wait3A_125 : memref<10240x64xf32, #tpu.memory_space<hbm>>) dst(%dma_wait3A_115 : memref<128x64xf32, #tpu.memory_space<vmem>>)
      %rem3A_128 = arith.constant 5 : i32
      %rem3A_129 = arith.remsi %scan3A_101, %rem3A_128 : i32
      %dma_start3A_130 = arith.constant 0 : i32
      %dma_start3A_131 = arith.constant 0 : i32
      %dma_start3A_132 = tpu.memref_slice %arg10[%rem3A_129, %dma_start3A_130, %dma_start3A_131] : memref<5x128x64xf32, #tpu.memory_space<vmem>> -> memref<1x128x64xf32, #tpu.memory_space<vmem>>
      %dma_start3A_133 = tpu.memref_squeeze %dma_start3A_132 : memref<1x128x64xf32, #tpu.memory_space<vmem>> -> memref<128x64xf32, #tpu.memory_space<vmem>>
      %dma_start3A_134 = arith.constant 0 : i32
      %dma_start3A_135 = tpu.memref_slice %arg9[%scan3A_101, %dma_start3A_134] : memref<160x128xi32, #tpu.memory_space<vmem>> -> memref<1x128xi32, #tpu.memory_space<vmem>>
      %dma_start3A_136 = tpu.memref_squeeze %dma_start3A_135 : memref<1x128xi32, #tpu.memory_space<vmem>> -> memref<128xi32, #tpu.memory_space<vmem>>
      %dma_start3A_137 = arith.constant 0 : i32
      %dma_start3A_138 = arith.constant 0 : i32
      %dma_start3A_139 = tpu.memref_slice %arg7[%dma_start3A_137, %dma_start3A_138] : memref<10240x64xf32, #tpu.memory_space<vmem_shared>> -> memref<10240x64xf32, #tpu.memory_space<vmem_shared>>
      %dma_start3A_140 = tpu.memref_slice %arg12[%rem3A_129] : memref<5x!tpu.dma_semaphore, #tpu.memory_space<semaphore_mem>> -> memref<1x!tpu.dma_semaphore, #tpu.memory_space<semaphore_mem>>
      %dma_start3A_141 = tpu.memref_squeeze %dma_start3A_140 : memref<1x!tpu.dma_semaphore, #tpu.memory_space<semaphore_mem>> -> memref<!tpu.dma_semaphore, #tpu.memory_space<semaphore_mem>>
      tpu.enqueue_indirect_dma source(%dma_start3A_133 : memref<128x64xf32, #tpu.memory_space<vmem>>) target(%dma_start3A_139 : memref<10240x64xf32, #tpu.memory_space<vmem_shared>>) offsets(%dma_start3A_136 : memref<128xi32, #tpu.memory_space<vmem>>) semaphore(%dma_start3A_141 : memref<!tpu.dma_semaphore, #tpu.memory_space<semaphore_mem>>) {add = true}
      %scan3A_142 = arith.constant 0 : i32
      scf.yield %scan3A_142 : i32
    }
    %scan3A_68 = arith.constant 160 : i32
    %rem3A_69 = arith.constant 158 : i32
    %rem3A_70 = arith.constant 5 : i32
    %rem3A_71 = arith.remsi %rem3A_69, %rem3A_70 : i32
    %dma_wait3A = arith.constant 158 : i32
    %dma_wait3A_72 = arith.constant 0 : i32
    %dma_wait3A_73 = arith.constant 0 : i32
    %dma_wait3A_74 = tpu.memref_slice %arg10[%rem3A_71, %dma_wait3A_72, %dma_wait3A_73] : memref<5x128x64xf32, #tpu.memory_space<vmem>> -> memref<1x128x64xf32, #tpu.memory_space<vmem>>
    %dma_wait3A_75 = tpu.memref_squeeze %dma_wait3A_74 : memref<1x128x64xf32, #tpu.memory_space<vmem>> -> memref<128x64xf32, #tpu.memory_space<vmem>>
    %dma_wait3A_76 = arith.constant 0 : i32
    %dma_wait3A_77 = tpu.memref_slice %arg9[%dma_wait3A, %dma_wait3A_76] : memref<160x128xi32, #tpu.memory_space<vmem>> -> memref<1x128xi32, #tpu.memory_space<vmem>>
    %dma_wait3A_78 = tpu.memref_squeeze %dma_wait3A_77 : memref<1x128xi32, #tpu.memory_space<vmem>> -> memref<128xi32, #tpu.memory_space<vmem>>
    %dma_wait3A_79 = arith.constant 0 : i32
    %dma_wait3A_80 = arith.constant 0 : i32
    %dma_wait3A_81 = tpu.memref_slice %arg7[%dma_wait3A_79, %dma_wait3A_80] : memref<10240x64xf32, #tpu.memory_space<vmem_shared>> -> memref<10240x64xf32, #tpu.memory_space<vmem_shared>>
    %dma_wait3A_82 = tpu.memref_slice %arg12[%rem3A_71] : memref<5x!tpu.dma_semaphore, #tpu.memory_space<semaphore_mem>> -> memref<1x!tpu.dma_semaphore, #tpu.memory_space<semaphore_mem>>
    %dma_wait3A_83 = tpu.memref_squeeze %dma_wait3A_82 : memref<1x!tpu.dma_semaphore, #tpu.memory_space<semaphore_mem>> -> memref<!tpu.dma_semaphore, #tpu.memory_space<semaphore_mem>>
    tpu.wait_indirect_dma semaphore(%dma_wait3A_83 : memref<!tpu.dma_semaphore, #tpu.memory_space<semaphore_mem>>) src(%dma_wait3A_75 : memref<128x64xf32, #tpu.memory_space<vmem>>) dst(%dma_wait3A_81 : memref<10240x64xf32, #tpu.memory_space<vmem_shared>>)
    %rem3A_84 = arith.constant 159 : i32
    %rem3A_85 = arith.constant 5 : i32
    %rem3A_86 = arith.remsi %rem3A_84, %rem3A_85 : i32
    %dma_wait3A_87 = arith.constant 159 : i32
    %dma_wait3A_88 = arith.constant 0 : i32
    %dma_wait3A_89 = arith.constant 0 : i32
    %dma_wait3A_90 = tpu.memref_slice %arg10[%rem3A_86, %dma_wait3A_88, %dma_wait3A_89] : memref<5x128x64xf32, #tpu.memory_space<vmem>> -> memref<1x128x64xf32, #tpu.memory_space<vmem>>
    %dma_wait3A_91 = tpu.memref_squeeze %dma_wait3A_90 : memref<1x128x64xf32, #tpu.memory_space<vmem>> -> memref<128x64xf32, #tpu.memory_space<vmem>>
    %dma_wait3A_92 = arith.constant 0 : i32
    %dma_wait3A_93 = tpu.memref_slice %arg9[%dma_wait3A_87, %dma_wait3A_92] : memref<160x128xi32, #tpu.memory_space<vmem>> -> memref<1x128xi32, #tpu.memory_space<vmem>>
    %dma_wait3A_94 = tpu.memref_squeeze %dma_wait3A_93 : memref<1x128xi32, #tpu.memory_space<vmem>> -> memref<128xi32, #tpu.memory_space<vmem>>
    %dma_wait3A_95 = arith.constant 0 : i32
    %dma_wait3A_96 = arith.constant 0 : i32
    %dma_wait3A_97 = tpu.memref_slice %arg7[%dma_wait3A_95, %dma_wait3A_96] : memref<10240x64xf32, #tpu.memory_space<vmem_shared>> -> memref<10240x64xf32, #tpu.memory_space<vmem_shared>>
    %dma_wait3A_98 = tpu.memref_slice %arg12[%rem3A_86] : memref<5x!tpu.dma_semaphore, #tpu.memory_space<semaphore_mem>> -> memref<1x!tpu.dma_semaphore, #tpu.memory_space<semaphore_mem>>
    %dma_wait3A_99 = tpu.memref_squeeze %dma_wait3A_98 : memref<1x!tpu.dma_semaphore, #tpu.memory_space<semaphore_mem>> -> memref<!tpu.dma_semaphore, #tpu.memory_space<semaphore_mem>>
    tpu.wait_indirect_dma semaphore(%dma_wait3A_99 : memref<!tpu.dma_semaphore, #tpu.memory_space<semaphore_mem>>) src(%dma_wait3A_91 : memref<128x64xf32, #tpu.memory_space<vmem>>) dst(%dma_wait3A_97 : memref<10240x64xf32, #tpu.memory_space<vmem_shared>>)
    %barrier3A_100 = arith.constant 0 : index
    tpu.barrier barrier_id(%barrier3A_100)
    "tpu.region"() ({
      %run_scoped3A = tpu.sem_alloc : memref<!tpu.dma_semaphore, #tpu.memory_space<semaphore_mem>>
      %dma_start3A_101 = arith.constant 0 : i32
      %dma_start3A_102 = tpu.memref_slice %arg6[%arg0, %mul3A_0, %dma_start3A_101] : memref<2x10240x64xf32, #tpu.memory_space<hbm>> -> memref<1x640x64xf32, #tpu.memory_space<hbm>>
      %dma_start3A_103 = tpu.memref_squeeze %dma_start3A_102 : memref<1x640x64xf32, #tpu.memory_space<hbm>> -> memref<640x64xf32, #tpu.memory_space<hbm>>
      %dma_start3A_104 = arith.constant 0 : i32
      %dma_start3A_105 = tpu.memref_slice %arg7[%mul3A_0, %dma_start3A_104] : memref<10240x64xf32, #tpu.memory_space<vmem_shared>> -> memref<640x64xf32, #tpu.memory_space<vmem_shared>>
      tpu.enqueue_dma source(%dma_start3A_105 : memref<640x64xf32, #tpu.memory_space<vmem_shared>>) target(%dma_start3A_103 : memref<640x64xf32, #tpu.memory_space<hbm>>) target_semaphore(%run_scoped3A : memref<!tpu.dma_semaphore, #tpu.memory_space<semaphore_mem>>)
      %dma_wait3A_106 = arith.constant 0 : i32
      %dma_wait3A_107 = tpu.memref_slice %arg6[%arg0, %mul3A_0, %dma_wait3A_106] : memref<2x10240x64xf32, #tpu.memory_space<hbm>> -> memref<1x640x64xf32, #tpu.memory_space<hbm>>
      %dma_wait3A_108 = tpu.memref_squeeze %dma_wait3A_107 : memref<1x640x64xf32, #tpu.memory_space<hbm>> -> memref<640x64xf32, #tpu.memory_space<hbm>>
      %dma_wait3A_109 = arith.constant 0 : i32
      %dma_wait3A_110 = tpu.memref_slice %arg7[%mul3A_0, %dma_wait3A_109] : memref<10240x64xf32, #tpu.memory_space<vmem_shared>> -> memref<640x64xf32, #tpu.memory_space<vmem_shared>>
      tpu.wait_dma2 semaphore(%run_scoped3A : memref<!tpu.dma_semaphore, #tpu.memory_space<semaphore_mem>>) src(%dma_wait3A_110 : memref<640x64xf32, #tpu.memory_space<vmem_shared>>) dst(%dma_wait3A_108 : memref<640x64xf32, #tpu.memory_space<hbm>>)
      tpu.yield
    }) : () -> ()
    return
  }
}

module attributes {stable_mosaic.version = 14 : i64} {
  func.func @_prep_body(%arg0: i32, %arg1: memref<2x512xf32, #tpu.memory_space<vmem>>, %arg2: memref<512x128xf32, #tpu.memory_space<vmem>>, %arg3: memref<2x512x64xf32, #tpu.memory_space<vmem>>) attributes {dimension_semantics = [#tpu.dimension_semantics<arbitrary>], iteration_bounds = array<i64: 20>, scalar_prefetch = 0 : i64, scratch_operands = 0 : i64, tpu.core_type = #tpu.core_type<tc>, window_params = [{transform_indices = @transform_0, window_bounds = array<i64: 2, 512>}, {transform_indices = @transform_1, window_bounds = array<i64: 512, 128>}, {transform_indices = @transform_2, window_bounds = array<i64: 2, 512, 64>}]} {
    %get3A = arith.constant 0 : index
    %get3A_0 = arith.constant 0 : index
    %get3A_1 = vector.load %arg1[%get3A, %get3A_0] : memref<2x512xf32, #tpu.memory_space<vmem>>, vector<2x512xf32>
    %transpose3A = tpu.transpose %get3A_1, [1, 0] : vector<2x512xf32> -> vector<512x2xf32>
    %reduce_sum3A = arith.constant dense<0.000000e+00> : vector<512xf32>
    %reduce_sum3A_2 = vector.multi_reduction <add>, %transpose3A, %reduce_sum3A [1] : vector<512x2xf32> to vector<512xf32>
    %broadcast_in_dim3A = vector.shape_cast %reduce_sum3A_2 : vector<512xf32> to vector<512x1xf32>
    %gt3A = arith.constant 0.000000e+00 : f32
    %gt3A_3 = vector.broadcast %gt3A : f32 to vector<512x1xf32>
    %gt3A_4 = arith.cmpf ogt, %broadcast_in_dim3A, %gt3A_3 : vector<512x1xf32>
    %rsqrt3A = math.rsqrt %broadcast_in_dim3A : vector<512x1xf32>
    %jit3A = arith.constant 0.000000e+00 : f32
    %broadcast_in_dim3A_5 = vector.broadcast %jit3A : f32 to vector<512x1xf32>
    %select_n3A = arith.select %gt3A_4, %rsqrt3A, %broadcast_in_dim3A_5 : vector<512x1xi1>, vector<512x1xf32>
    %get3A_6 = arith.constant 0 : index
    %get3A_7 = arith.constant 0 : index
    %get3A_8 = vector.load %arg2[%get3A_6, %get3A_7] : memref<512x128xf32, #tpu.memory_space<vmem>>, vector<512x128xf32>
    %mul3A = vector.broadcast %select_n3A : vector<512x1xf32> to vector<512x128xf32>
    %mul3A_9 = arith.mulf %mul3A, %get3A_8 : vector<512x128xf32>
    %slice3A = vector.extract_strided_slice %mul3A_9 {offsets = [0, 0], sizes = [512, 64], strides = [1, 1]} : vector<512x128xf32> to vector<512x64xf32>
    %swap3A = arith.constant 0 : index
    %swap3A_10 = arith.constant 0 : index
    %swap3A_11 = arith.constant 0 : index
    %swap3A_12 = vector.load %arg3[%swap3A, %swap3A_10, %swap3A_11] : memref<2x512x64xf32, #tpu.memory_space<vmem>>, vector<1x512x64xf32>
    %swap3A_13 = vector.shape_cast %swap3A_12 : vector<1x512x64xf32> to vector<512x64xf32>
    %swap3A_14 = vector.shape_cast %slice3A : vector<512x64xf32> to vector<1x512x64xf32>
    tpu.vector_store %arg3[%swap3A, %swap3A_10, %swap3A_11], %swap3A_14 {strides = array<i32>} : memref<2x512x64xf32, #tpu.memory_space<vmem>>, vector<1x512x64xf32>,
    %slice3A_15 = vector.extract_strided_slice %mul3A_9 {offsets = [0, 64], sizes = [512, 64], strides = [1, 1]} : vector<512x128xf32> to vector<512x64xf32>
    %swap3A_16 = arith.constant 1 : index
    %swap3A_17 = arith.constant 0 : index
    %swap3A_18 = arith.constant 0 : index
    %swap3A_19 = vector.load %arg3[%swap3A_16, %swap3A_17, %swap3A_18] : memref<2x512x64xf32, #tpu.memory_space<vmem>>, vector<1x512x64xf32>
    %swap3A_20 = vector.shape_cast %swap3A_19 : vector<1x512x64xf32> to vector<512x64xf32>
    %swap3A_21 = vector.shape_cast %slice3A_15 : vector<512x64xf32> to vector<1x512x64xf32>
    tpu.vector_store %arg3[%swap3A_16, %swap3A_17, %swap3A_18], %swap3A_21 {strides = array<i32>} : memref<2x512x64xf32, #tpu.memory_space<vmem>>, vector<1x512x64xf32>,
    return
  }
  func.func @transform_0(%arg0: i32) -> (i32, i32) {
    %c0_i32 = arith.constant 0 : i32
    %c0_i32_0 = arith.constant 0 : i32
    return %c0_i32, %arg0 : i32, i32
  }
  func.func @transform_1(%arg0: i32) -> (i32, i32) {
    %c0_i32 = arith.constant 0 : i32
    %c0_i32_0 = arith.constant 0 : i32
    return %arg0, %c0_i32 : i32, i32
  }
  func.func @transform_2(%arg0: i32) -> (i32, i32, i32) {
    %c0_i32 = arith.constant 0 : i32
    %c0_i32_0 = arith.constant 0 : i32
    %c0_i32_1 = arith.constant 0 : i32
    return %c0_i32, %arg0, %c0_i32_0 : i32, i32, i32
  }
}

module attributes {stable_mosaic.version = 14 : i64} {
  func.func @_final_body(%arg0: i32, %arg1: memref<2x512xf32, #tpu.memory_space<vmem>>, %arg2: memref<512x128xf32, #tpu.memory_space<vmem>>, %arg3: memref<1x512x64xf32, #tpu.memory_space<vmem>>, %arg4: memref<1x512x64xf32, #tpu.memory_space<vmem>>, %arg5: memref<128x128xf32, #tpu.memory_space<vmem>>, %arg6: memref<128x128xf32, #tpu.memory_space<vmem>>, %arg7: memref<1x128xf32, #tpu.memory_space<vmem>>, %arg8: memref<512x128xf32, #tpu.memory_space<vmem>>) attributes {dimension_semantics = [#tpu.dimension_semantics<arbitrary>], iteration_bounds = array<i64: 20>, scalar_prefetch = 0 : i64, scratch_operands = 0 : i64, tpu.core_type = #tpu.core_type<tc>, window_params = [{transform_indices = @transform_0, window_bounds = array<i64: 2, 512>}, {transform_indices = @transform_1, window_bounds = array<i64: 512, 128>}, {transform_indices = @transform_2, window_bounds = array<i64: 1, 512, 64>}, {transform_indices = @transform_3, window_bounds = array<i64: 1, 512, 64>}, {pipeline_mode = #tpu.pipeline_mode<synchronous>, transform_indices = @transform_4, window_bounds = array<i64: 128, 128>}, {pipeline_mode = #tpu.pipeline_mode<synchronous>, transform_indices = @transform_5, window_bounds = array<i64: 128, 128>}, {pipeline_mode = #tpu.pipeline_mode<synchronous>, transform_indices = @transform_6, window_bounds = array<i64: 1, 128>}, {transform_indices = @transform_7, window_bounds = array<i64: 512, 128>}]} {
    %get3A = arith.constant 0 : index
    %get3A_0 = arith.constant 0 : index
    %get3A_1 = arith.constant 0 : index
    %get3A_2 = vector.load %arg3[%get3A, %get3A_0, %get3A_1] : memref<1x512x64xf32, #tpu.memory_space<vmem>>, vector<1x512x64xf32>
    %get3A_3 = vector.shape_cast %get3A_2 : vector<1x512x64xf32> to vector<512x64xf32>
    %get3A_4 = arith.constant 0 : index
    %get3A_5 = arith.constant 0 : index
    %get3A_6 = arith.constant 0 : index
    %get3A_7 = vector.load %arg4[%get3A_4, %get3A_5, %get3A_6] : memref<1x512x64xf32, #tpu.memory_space<vmem>>, vector<1x512x64xf32>
    %get3A_8 = vector.shape_cast %get3A_7 : vector<1x512x64xf32> to vector<512x64xf32>
    %concatenate3A = tpu.concatenate %get3A_3, %get3A_8 in 1 : vector<512x64xf32>, vector<512x64xf32> -> vector<512x128xf32>
    %get3A_9 = arith.constant 0 : index
    %get3A_10 = arith.constant 0 : index
    %get3A_11 = vector.load %arg1[%get3A_9, %get3A_10] : memref<2x512xf32, #tpu.memory_space<vmem>>, vector<2x512xf32>
    %transpose3A = tpu.transpose %get3A_11, [1, 0] : vector<2x512xf32> -> vector<512x2xf32>
    %reduce_sum3A = arith.constant dense<0.000000e+00> : vector<512xf32>
    %reduce_sum3A_12 = vector.multi_reduction <add>, %transpose3A, %reduce_sum3A [1] : vector<512x2xf32> to vector<512xf32>
    %broadcast_in_dim3A = vector.shape_cast %reduce_sum3A_12 : vector<512xf32> to vector<512x1xf32>
    %gt3A = arith.constant 0.000000e+00 : f32
    %gt3A_13 = vector.broadcast %gt3A : f32 to vector<512x1xf32>
    %gt3A_14 = arith.cmpf ogt, %broadcast_in_dim3A, %gt3A_13 : vector<512x1xf32>
    %rsqrt3A = math.rsqrt %broadcast_in_dim3A : vector<512x1xf32>
    %jit3A = arith.constant 0.000000e+00 : f32
    %broadcast_in_dim3A_15 = vector.broadcast %jit3A : f32 to vector<512x1xf32>
    %select_n3A = arith.select %gt3A_14, %rsqrt3A, %broadcast_in_dim3A_15 : vector<512x1xi1>, vector<512x1xf32>
    %neg3A = arith.constant 0.000000e+00 : f32
    %neg3A_16 = vector.broadcast %neg3A : f32 to vector<512x1xf32>
    %neg3A_17 = arith.subf %neg3A_16, %select_n3A : vector<512x1xf32>
    %mul3A = vector.broadcast %neg3A_17 : vector<512x1xf32> to vector<512x128xf32>
    %mul3A_18 = arith.mulf %mul3A, %concatenate3A : vector<512x128xf32>
    %get3A_19 = arith.constant 0 : index
    %get3A_20 = arith.constant 0 : index
    %get3A_21 = vector.load %arg2[%get3A_19, %get3A_20] : memref<512x128xf32, #tpu.memory_space<vmem>>, vector<512x128xf32>
    %get3A_22 = arith.constant 0 : index
    %get3A_23 = arith.constant 0 : index
    %get3A_24 = vector.load %arg5[%get3A_22, %get3A_23] : memref<128x128xf32, #tpu.memory_space<vmem>>, vector<128x128xf32>
    %dot_general3A = arith.constant dense<0.000000e+00> : vector<512x128xf32>
    %dot_general3A_25 = tpu.matmul %get3A_21, %get3A_24, %dot_general3A {dimension_numbers = #tpu.dot_dimension_numbers<[1], [0], [0], [1], [0, 0, 1, 1], [], []>, transpose_lhs_hint = false} : vector<512x128xf32>, vector<128x128xf32>, vector<512x128xf32> -> vector<512x128xf32>
    %get3A_26 = arith.constant 0 : index
    %get3A_27 = arith.constant 0 : index
    %get3A_28 = vector.load %arg6[%get3A_26, %get3A_27] : memref<128x128xf32, #tpu.memory_space<vmem>>, vector<128x128xf32>
    %dot_general3A_29 = arith.constant dense<0.000000e+00> : vector<512x128xf32>
    %dot_general3A_30 = tpu.matmul %mul3A_18, %get3A_28, %dot_general3A_29 {dimension_numbers = #tpu.dot_dimension_numbers<[1], [0], [0], [1], [0, 0, 1, 1], [], []>, transpose_lhs_hint = false} : vector<512x128xf32>, vector<128x128xf32>, vector<512x128xf32> -> vector<512x128xf32>
    %add3A = arith.addf %dot_general3A_25, %dot_general3A_30 : vector<512x128xf32>
    %get3A_31 = arith.constant 0 : index
    %get3A_32 = arith.constant 0 : index
    %get3A_33 = vector.load %arg7[%get3A_31, %get3A_32] : memref<1x128xf32, #tpu.memory_space<vmem>>, vector<1x128xf32>
    %add3A_34 = vector.broadcast %get3A_33 : vector<1x128xf32> to vector<512x128xf32>
    %add3A_35 = arith.addf %add3A, %add3A_34 : vector<512x128xf32>
    %gt3A_36 = arith.constant 0.000000e+00 : f32
    %gt3A_37 = vector.broadcast %gt3A_36 : f32 to vector<512x128xf32>
    %gt3A_38 = arith.cmpf ogt, %add3A_35, %gt3A_37 : vector<512x128xf32>
    %min3A = arith.constant 0.000000e+00 : f32
    %min3A_39 = vector.broadcast %min3A : f32 to vector<512x128xf32>
    %min3A_40 = arith.minimumf %add3A_35, %min3A_39 : vector<512x128xf32>
    %exp3A = math.exp %min3A_40 : vector<512x128xf32>
    %sub3A = arith.constant 1.000000e+00 : f32
    %sub3A_41 = vector.broadcast %sub3A : f32 to vector<512x128xf32>
    %sub3A_42 = arith.subf %exp3A, %sub3A_41 : vector<512x128xf32>
    %select_n3A_43 = arith.select %gt3A_38, %add3A_35, %sub3A_42 : vector<512x128xi1>, vector<512x128xf32>
    %swap3A = arith.constant 0 : index
    %swap3A_44 = arith.constant 0 : index
    %swap3A_45 = vector.load %arg8[%swap3A, %swap3A_44] : memref<512x128xf32, #tpu.memory_space<vmem>>, vector<512x128xf32>
    tpu.vector_store %arg8[%swap3A, %swap3A_44], %select_n3A_43 {strides = array<i32>} : memref<512x128xf32, #tpu.memory_space<vmem>>, vector<512x128xf32>,
    return
  }
  func.func @transform_0(%arg0: i32) -> (i32, i32) {
    %c0_i32 = arith.constant 0 : i32
    %c0_i32_0 = arith.constant 0 : i32
    return %c0_i32, %arg0 : i32, i32
  }
  func.func @transform_1(%arg0: i32) -> (i32, i32) {
    %c0_i32 = arith.constant 0 : i32
    %c0_i32_0 = arith.constant 0 : i32
    return %arg0, %c0_i32 : i32, i32
  }
  func.func @transform_2(%arg0: i32) -> (i32, i32, i32) {
    %c0_i32 = arith.constant 0 : i32
    %c0_i32_0 = arith.constant 0 : i32
    %c0_i32_1 = arith.constant 0 : i32
    return %c0_i32, %arg0, %c0_i32_0 : i32, i32, i32
  }
  func.func @transform_3(%arg0: i32) -> (i32, i32, i32) {
    %c1_i32 = arith.constant 1 : i32
    %c0_i32 = arith.constant 0 : i32
    %c0_i32_0 = arith.constant 0 : i32
    return %c1_i32, %arg0, %c0_i32 : i32, i32, i32
  }
  func.func @transform_4(%arg0: i32) -> (i32, i32) {
    %c0_i32 = arith.constant 0 : i32
    %c0_i32_0 = arith.constant 0 : i32
    %c0_i32_1 = arith.constant 0 : i32
    return %c0_i32, %c0_i32_0 : i32, i32
  }
  func.func @transform_5(%arg0: i32) -> (i32, i32) {
    %c0_i32 = arith.constant 0 : i32
    %c0_i32_0 = arith.constant 0 : i32
    %c0_i32_1 = arith.constant 0 : i32
    return %c0_i32, %c0_i32_0 : i32, i32
  }
  func.func @transform_6(%arg0: i32) -> (i32, i32) {
    %c0_i32 = arith.constant 0 : i32
    %c0_i32_0 = arith.constant 0 : i32
    %c0_i32_1 = arith.constant 0 : i32
    return %c0_i32, %c0_i32_0 : i32, i32
  }
  func.func @transform_7(%arg0: i32) -> (i32, i32) {
    %c0_i32 = arith.constant 0 : i32
    %c0_i32_0 = arith.constant 0 : i32
    return %arg0, %c0_i32 : i32, i32
  }
}

</mosaic_0001>

<sc_bundles>
// kernel: kernel.6.cloned.1.call-start
scs
__scs_entry_jumppad:
0x0: {  	(pc) =	sbr.rel $0x88, $3  }
0x1: {  	(tag) =	ssettag $0x0;
	lr =	simm.s32 $0x1  }
0x2: {  	[smem:$0x3F9C] =	sst lr;
	_ =	strace $0xD0000000  }
0x3: {  	_ = 	snop  }
0x4: {  	_ = 	snop  }
0x5: {  	_ = 	snop  }
0x6: {  	_ = 	snop  }
0x7: {  	_ = 	snop  }
__scs_overlays_trampoline_lowered:
0x8: {  	[smem:$0x3FAB] =	sst s0  }
0x9: {  	[smem:$0x3FAC] =	sst s1  }
0xa: {  	[smem:$0x3FAD] =	sst s2  }
0xb: {  	[smem:$0x3FAE] =	sst s3  }
0xc: {  	[smem:$0x3FAF] =	sst s4  }
0xd: {  	[smem:$0x3FB0] =	sst s5  }
0xe: {  	[smem:$0x3FB1] =	sst s6  }
0xf: {  	[smem:$0x3FB2] =	sst s7  }
0x10: {  	[smem:$0x3FB3] =	sst s8  }
0x11: {  	[smem:$0x3FB4] =	sst s9;
	s0 =	simm.s32 @!p0 $0x0  }
0x12: {  	s1 =	sld [smem:$0x3F9A];
	s0 =	simm.s32 @p0 $0x1  }
0x13: {  	[smem:$0x3FB5] =	sst s0;
	s0 =	simm.s32 @!p1 $0x0  }
0x14: {  	s2 =	sld [smem:$0x3F99];
	s0 =	simm.s32 @p1 $0x1  }
0x15: {  	[smem:$0x3FB6] =	sst s0;
	s0 =	simm.s32 @!p2 $0x0  }
0x16: {  	s3 =	sld [smem:$0x3FDB];
	s0 =	simm.s32 @p2 $0x1  }
0x17: {  	s4 =	simm.s32 $0x1BF5;
	[smem:$0x3FB8] =	sst s0  }
0x18: {  	s0 =	sld [smem:$0x3F9B];
	_ =	swait.ge [sflag:s4], $0x0  }
0x19: {  	s7 =	sld [smem:$0x3F9C]  }
0x1a: {  	s8 =	sadd.s32 $0xFFFFE003, lr  }
0x1b: {  	s9 =	sadd.s32 $0xFFFFFEF7, lr;
	s5 =	simm.s32 $0xFFFFFFFF;
	p2 =	slt.u32 s8, $0xFFFFF086  }
0x1c: {  	p1 =	slt.u32 s9, $0xF7A;
	s5 =	simm.s32 @!p2 $0x0  }
0x1d: {  	s5 =	simm.s32 @p1 $0x1;
	p0 =	seq.s32 s7, s2  }
0x1e: {  	s7 =	smul.u32 @!p0 $0xF7A, s2;
	p2 =	seq.s32 @!p0 s5, $0x0  }
0x1f: {  	s9 =	smul.u32 $0xF7A, s1;
	s8 =	simm.s32 @!p0 $0x1BF5;
	p2 =	por !p2, p0  }
0x20: {  	[sflag:s8] =	ssyncset.s32 @!p0 $0xFFFFF086;
	s6 =	sadd.s32 @!p0 s3, s7;
	s7 =	simm.s32 @!p0 $0x108  }
0x21: {  	s3 =	sadd.s32 s3, s9;
	s6 =	sadd.s32 @!p0 $0x88, s6;
	s7 =	simm.s32 @p2 $0x1082  }
0x22: {  	[simem:s7], [sflag:s8] =	dma.local @!p0 [hbm:s6], $0xF7A  }
0x23: {  	s9 =	sor.u32 $0xD0000000, s2;
	s6 =	simm.s32 $0x108;
	_ =	swait.ge @!p0 [sflag:s8], $0x0  }
0x24: {  	s3 =	sadd.s32 $0x88, s3;
	s6 =	simm.s32 @!p1 $0x1082;
	[sflag:s4] =	ssyncset.s32 $0xFFFFF086  }
0x25: {  	[simem:s6], [sflag:s4] =	dma.local [hbm:s3], $0xF7A  }
0x26: {  	[smem:$0x3F9C] =	sst s1;
	(tag) =	ssettag s2;
	_ =	strace s9  }
0x27: {  	s1 =	sld [smem:$0x3FAC]  }
0x28: {  	s2 =	sld [smem:$0x3FAD]  }
0x29: {  	s4 =	sld [smem:$0x3FAF]  }
0x2a: {  	p0 =	seq.s32 s5, $0x0;
	s5 =	sld [smem:$0x3FB0]  }
0x2b: {  	s6 =	sld [smem:$0x3FB1]  }
0x2c: {  	s7 =	sld [smem:$0x3FB2]  }
0x2d: {  	s3 =	simm.s32 $0x108;
	s8 =	sld [smem:$0x3FB3]  }
0x2e: {  	s3 =	simm.s32 @!p0 $0x1082;
	s9 =	sld [smem:$0x3FB4]  }
0x2f: {  	lr =	sadd.s32 s0, s3;
	s0 =	sld [smem:$0x3FAB]  }
0x30: {  	s3 =	sld [smem:$0x3FAE]  }
0x31: {  	[smem:$0x3FB7] =	sst s10  }
0x32: {  	s10 =	sld [smem:$0x3FB5];
	_ =	sdelay $0x3  }
0x33: {  	p0 =	seq.s32 s10, $0x1;
	s10 =	sld [smem:$0x3FB7];
	_ =	sdelay $0x3  }
0x34: {  	[smem:$0x3FB7] =	sst s10  }
0x35: {  	s10 =	sld [smem:$0x3FB6];
	_ =	sdelay $0x3  }
0x36: {  	p1 =	seq.s32 s10, $0x1;
	s10 =	sld [smem:$0x3FB7];
	_ =	sdelay $0x3  }
0x37: {  	[smem:$0x3FB7] =	sst s10  }
0x38: {  	s10 =	sld [smem:$0x3FB8]  }
0x39: {  	_ = 	snop;
	(pc) =	sbr.ind lr, $3  }
0x3a: {  	_ = 	snop  }
0x3b: {  	_ = 	snop  }
0x3c: {  	p2 =	seq.s32 s10, $0x1;
	s10 =	sld [smem:$0x3FB7]  }
0x3d: {  	_ =	shalt  }
0x3e: {  	_ =	shalt  }
0x3f: {  	_ =	shalt  }
0x40: {  	_ =	shalt  }
0x41: {  	_ =	shalt  }
0x42: {  	_ =	shalt  }
0x43: {  	_ =	shalt  }
0x44: {  	_ =	shalt  }
0x45: {  	_ =	shalt  }
0x46: {  	_ =	shalt  }
0x47: {  	_ =	shalt  }
0x48: {  	_ =	shalt  }
0x49: {  	_ =	shalt  }
0x4a: {  	_ =	shalt  }
0x4b: {  	_ =	shalt  }
0x4c: {  	_ =	shalt  }
0x4d: {  	_ =	shalt  }
0x4e: {  	_ =	shalt  }
0x4f: {  	_ =	shalt  }
0x50: {  	_ =	shalt  }
0x51: {  	_ =	shalt  }
0x52: {  	_ =	shalt  }
0x53: {  	_ =	shalt  }
0x54: {  	_ =	shalt  }
0x55: {  	_ =	shalt  }
0x56: {  	_ =	shalt  }
0x57: {  	_ =	shalt  }
0x58: {  	_ =	shalt  }
0x59: {  	_ =	shalt  }
0x5a: {  	_ =	shalt  }
0x5b: {  	_ =	shalt  }
0x5c: {  	_ =	shalt  }
0x5d: {  	_ =	shalt  }
0x5e: {  	_ =	shalt  }
0x5f: {  	_ =	shalt  }
0x60: {  	_ =	shalt  }
0x61: {  	_ =	shalt  }
0x62: {  	_ =	shalt  }
0x63: {  	_ =	shalt  }
0x64: {  	_ =	shalt  }
0x65: {  	_ =	shalt  }
0x66: {  	_ =	shalt  }
0x67: {  	_ =	shalt  }
0x68: {  	_ =	shalt  }
0x69: {  	_ =	shalt  }
0x6a: {  	_ =	shalt  }
0x6b: {  	_ =	shalt  }
0x6c: {  	_ =	shalt  }
0x6d: {  	_ =	shalt  }
0x6e: {  	_ =	shalt  }
0x6f: {  	_ =	shalt  }
0x70: {  	_ =	shalt  }
0x71: {  	_ =	shalt  }
0x72: {  	_ =	shalt  }
0x73: {  	_ =	shalt  }
0x74: {  	_ =	shalt  }
0x75: {  	_ =	shalt  }
0x76: {  	_ =	shalt  }
0x77: {  	_ =	shalt  }
0x78: {  	_ =	shalt  }
0x79: {  	_ =	shalt  }
0x7a: {  	_ =	shalt  }
0x7b: {  	_ =	shalt  }
0x7c: {  	_ =	shalt  }
0x7d: {  	_ =	shalt  }
0x7e: {  	_ =	shalt  }
0x7f: {  	_ =	shalt  }
0x80: {  	_ =	shalt  }
0x81: {  	_ =	shalt  }
0x82: {  	_ =	shalt  }
0x83: {  	_ =	shalt  }
0x84: {  	_ =	shalt  }
0x85: {  	_ =	shalt  }
0x86: {  	_ =	shalt  }
0x87: {  	_ =	shalt  }
.Lfunc_end0:
.L_simem_size_0:
called_computation_lowered:
.L_overlay_start_0:
0x88: {  	s2 =	sld [smem:$0x3FD9]  }
0x89: {  	s3 =	sld [smem:$0x3FFE];
	_ =	sdelay $0x1  }
0x8a: {  	s1 =	srdreg.scid  }
0x8b: {  	s0 =	sand.u32 $0x1, s1  }
0x8c: {  	s17 =	sshll.u32 s0, $0xA;
	s2 =	sadd.s32 s3, s2  }
0x8d: {  	s2 =	sadd.s32 s2, s17  }
0x8e: {  	[smem:$0x3FC3] =	sst s2  }
0x8f: {  	_ = 	snop  }
0x90: {  	s2 =	sld [smem:$0x3FD0];
	(tm) =	ssettm $0x1  }
0x91: {  	s18 =	sld [smem:$0x3FFB];
	_ =	sdelay $0x3  }
0x92: {  	_ =	strace s18  }
0x93: {  	s3 =	sld [smem:$0x3FFC];
	_ =	sdelay $0x3  }
0x94: {  	_ =	strace s3  }
0x95: {  	s3 =	sld [smem:$0x3FFD];
	_ =	sdelay $0x3  }
0x96: {  	_ =	strace s3  }
0x97: {  	_ =	strace $0x8FFFFFFF  }
0x98: {  	s19 =	sld [smem:$0x3FDB];
	_ =	sdelay $0x1  }
0x99: {  	s4 =	simm.s32 $_scs_section_size  }
0x9a: {  	s5 =	simm.s32 $_size__tile_overlayer_lowered;
	s6 =	simm.s32 $_tile_overlayer_lowered  }
0x9b: {  	s22 =	simm.s32 $0x1BFF;
	s21 =	sshll.u32 s6, $0x1;
	s3 =	sadd.s32 s4, s19  }
0x9c: {  	s7 =	simm.s32 $0x0;
	s20 =	sshll.u32 s5, $0x1;
	s5 =	sadd.s32 s21, s3  }
0x9d: {  	[timem:s7], [sflag:s22] =	dma.local [hbm:s5], s20  }
0x9e: {  	_ =	swait.ge [sflag:s22], s20  }
0x9f: {  	s4 =	ssub.s32 $0x0, s20;
	[sflag:s22] =	ssyncset.done $0x0  }
0xa0: {  	[sflag:s22] =	ssyncadd.s32 s4;
	_ =	sdelay $0x1  }
0xa1: {  	s23 =	simm.s32 $0x1B8B  }
0xa2: {  	_ =	swait.ge [sflag:s23], $0x1  }
0xa3: {  	[sflag:s23] =	ssyncset.done $0x0  }
0xa4: {  	s25 =	simm.s32 $0x1B8E;
	s24 =	sld [smem:$0x3FFE];
	[sflag:s23] =	ssyncadd.s32 $0xFFFFFFFF  }
0xa5: {  	s26 =	simm.s32 $execute0_lowered;
	[smem:$0x3FD2] =	sst s25  }
0xa6: {  	s5 =	sshll.u32 s26, $0x1;
	_ =	strace $0x80000046;
	[dreg:$0x1] =	wrdreg $0xFFFFFFFF  }
0xa7: {  	s28 =	simm.s32 $_size_execute0_lowered;
	s3 =	sadd.s32 s3, s5;
	[dreg:$0x0] =	wrdreg $0x0  }
0xa8: {  	s5 =	sshll.u32 s28, $0x1;
	[dreg:$0x2] =	wrdreg s3  }
0xa9: {  	[dreg:$0x3] =	wrdreg s5  }
0xaa: {  	[dreg:$0x4] =	wrdreg $0xC0  }
0xab: {  	_ =	task [dreg:s7], $0x5FFFF  }
0xac: {  	[dreg:$0x1] =	wrdreg $0xFFFFFFFF  }
0xad: {  	[dreg:$0x0] =	wrdreg $0x60  }
0xae: {  	[dreg:$0x2] =	wrdreg s24  }
0xaf: {  	[dreg:$0x3] =	wrdreg s2  }
0xb0: {  	[dreg:$0x4] =	wrdreg $0x0  }
0xb1: {  	[dreg:$0x5] =	wrdreg $0x9  }
0xb2: {  	_ =	task.clear_ibuf [dreg:s7], $0x6FFFF;
	_ =	strace $0x90000046  }
0xb3: {  	s29 =	simm.s32 $0x9;
	_ =	strace $0x80000048  }
0xb4: {  	_ =	swait.ge [sflag:s29], $0x1  }
0xb5: {  	[sflag:s29] =	ssyncadd.s32 $0xFFFFFFFF  }
0xb6: {  	_ =	strace $0x90000048  }
0xb7: {  	_ =	sfence  }
0xb8: {  	s30 =	sld [smem:$0x0];
	_ =	sdelay $0x2  }
0xb9: {  	s31 =	sshll.u32 s1, $0xD;
	s1 =	sshrl.u32 s1, $0x2  }
0xba: {  	s3 =	sand.u32 $0x4000, s31;
	s1 =	sadd.s32 s1, s30  }
0xbb: {  	s0 =	sor.u32 s3, s0;
	s1 =	sshll.u32 s1, $0x11  }
0xbc: {  	s0 =	sor.u32 s1, s0  }
0xbd: {  	s0 =	sadd.s32 $0x8F2B, s0  }
0xbe: {  	[sflag:s0] =	ssyncadd.remote.s32 $0x1  }
0xbf: {  	_ =	sfence.sel $0xFFFF  }
0xc0: {  	[dreg:$0x0] =	wrdreg $0xFFFFFFFF;
	(pc) =	sbr.abs _section_cstart, $3  }
0xc1: {  	[dreg:$0x1] =	wrdreg $0xFFFFFFFF  }
0xc2: {  	_ =	task.clear_ibuf [dreg:s7], $0x2FFFF;
	_ =	strace $0x9FFFFFFF  }
0xc3: {  	(tm) =	ssettm $0x7FFFFFFF  }
tec
execute0_lowered:
.L_overlay_start_1:
0x0: {  	(tag) =	ssettag $0x1  }
0x1: {  	s5 =	rddreg [dreg:$0x0]  }
0x2: {  	s6 =	rddreg [dreg:$0x1]  }
0x3: {  	s0 =	srdreg.scid;
	s2 =	rddreg [dreg:$0x2];
	s3 =	simm.s32 $0x0  }
0x4: {  	s11 =	simm.s32 $0x80;
	s12 =	simm.s32 $0x2D00;
	s13 =	simm.s32 $0x1  }
0x5: {  	s16 =	simm.s32 $0x0;
	s4 =	sand.u32 $0x1, s0;
	s0 =	stileid.u32  }
0x6: {  	[smem:$0x7FF] =	sst s3;
	s1 =	sshll.u32 s4, $0x4;
	s8 =	smul.u32 $0x280, s0  }
0x7: {  	s9 =	ssub.s32 $0x2, s4;
	s4 =	smul.u32 $0x2800, s4;
	s14 =	sshll.u32 s0, $0x6  }
0x8: {  	s1 =	sor.u32 s0, s1;
	s10 =	sshrl.u32 s9, $0x1;
	s14 =	sor.u32 $0x1C02, s14  }
0x9: {  	s7 =	smul.u32 $0x500, s1;
	s1 =	rddreg [dreg:$0x3];
	_ =	strace $0x80000047  }
0xa: {  	s29 =	ssub.s32 s9, s10;
	s30 =	sadd.s32 s8, s4;
	s4 =	sadd.s32 s8, s2  }
0xb: {  	s8 =	simm.s32 $0x280;
	s9 =	simm.s32 $0x2;
	s10 =	simm.s32 $0x500  }
0xc: {  	s31 =	sshrl.u32 s30, $0x3;
	s15 =	sshrl.u32 s4, $0x3;
	s5 =	sadd.s32 s7, s5  }
0xd: {  	v0 =	vimm.f32 $0.0e+00;
	v1 =	vimm.f32 $1.000000000e+00;
	s6 =	sadd.s32 s6, s31;
	s7 =	smax.u32 s29, $0x1;
	s5 =	sadd.s32 $0xE00, s5  }
.LBB2_1:
0xe: {  	[tilespmem:$0x280] =	vst v0  }
0xf: {  	[tilespmem:$0x290] =	vst v0  }
0x10: {  	[tilespmem:$0x2A0] =	vst v0  }
0x11: {  	[tilespmem:$0x2B0] =	vst v0  }
0x12: {  	[tilespmem:$0x2C0] =	vst v0  }
0x13: {  	[tilespmem:$0x2D0] =	vst v0  }
0x14: {  	[tilespmem:$0x2E0] =	vst v0  }
0x15: {  	[tilespmem:$0x2F0] =	vst v0  }
0x16: {  	[tilespmem:$0x300] =	vst v0  }
0x17: {  	[tilespmem:$0x310] =	vst v0  }
0x18: {  	[tilespmem:$0x320] =	vst v0  }
0x19: {  	[tilespmem:$0x330] =	vst v0  }
0x1a: {  	[tilespmem:$0x340] =	vst v0  }
0x1b: {  	[tilespmem:$0x350] =	vst v0  }
0x1c: {  	[tilespmem:$0x360] =	vst v0  }
0x1d: {  	[tilespmem:$0x370] =	vst v0  }
0x1e: {  	[tilespmem:$0x380] =	vst v0  }
0x1f: {  	[tilespmem:$0x390] =	vst v0  }
0x20: {  	[tilespmem:$0x3A0] =	vst v0  }
0x21: {  	[tilespmem:$0x3B0] =	vst v0  }
0x22: {  	[tilespmem:$0x3C0] =	vst v0  }
0x23: {  	[tilespmem:$0x3D0] =	vst v0  }
0x24: {  	[tilespmem:$0x3E0] =	vst v0  }
0x25: {  	[tilespmem:$0x3F0] =	vst v0  }
0x26: {  	[tilespmem:$0x400] =	vst v0  }
0x27: {  	[tilespmem:$0x410] =	vst v0  }
0x28: {  	[tilespmem:$0x420] =	vst v0  }
0x29: {  	[tilespmem:$0x430] =	vst v0  }
0x2a: {  	[tilespmem:$0x440] =	vst v0  }
0x2b: {  	[tilespmem:$0x450] =	vst v0  }
0x2c: {  	[tilespmem:$0x460] =	vst v0  }
0x2d: {  	[tilespmem:$0x470] =	vst v0  }
0x2e: {  	[tilespmem:$0x480] =	vst v0  }
0x2f: {  	[tilespmem:$0x490] =	vst v0  }
0x30: {  	[tilespmem:$0x4A0] =	vst v0  }
0x31: {  	[tilespmem:$0x4B0] =	vst v0  }
0x32: {  	[tilespmem:$0x4C0] =	vst v0  }
0x33: {  	[tilespmem:$0x4D0] =	vst v0  }
0x34: {  	[tilespmem:$0x4E0] =	vst v0  }
0x35: {  	[tilespmem:$0x4F0] =	vst v0  }
0x36: {  	[tilespmem:$0x2D00] =	vst v1  }
0x37: {  	[tilespmem:$0x2D10] =	vst v1  }
0x38: {  	[tilespmem:$0x2D20] =	vst v1  }
0x39: {  	[tilespmem:$0x2D30] =	vst v1  }
0x3a: {  	[tilespmem:$0x2D40] =	vst v1  }
0x3b: {  	[tilespmem:$0x2D50] =	vst v1  }
0x3c: {  	[tilespmem:$0x2D60] =	vst v1  }
0x3d: {  	[tilespmem:$0x2D70] =	vst v1  }
0x3e: {  	[spmem:s4] =	stream.linear.scatter [tilespmem:s8], [sflag:$0x2], $0x280, $0x38;
	[tilespmem:$0x2D80] =	vst v63  }
0x3f: {  	_ =	swait.ge [sflag:s9], $0x280  }
0x40: {  	[sflag:s9] =	ssyncset.done $0x0  }
0x41: {  	[sflag:s9] =	ssyncadd.s32 $0xFFFFFD80  }
0x42: {  	[tilespmem:s10], [sflag:$0x2] =	stream.linear.gather [hbm4b:s5+s3], $0x2800, $0x38;
	[tilespmem:$0x2D80] =	vst v63  }
0x43: {  	_ =	swait.ge [sflag:s9], $0x2800  }
0x44: {  	[sflag:s9] =	ssyncset.done $0x0  }
0x45: {  	[sflag:s9] =	ssyncadd.s32 $0xFFFFD800  }
0x46: {  	s17 =	simm.s32 $0x500;
	[bflag:$0x0] =	sbarrier.arrive $0xFFFF  }
0x47: {  	[spmem:s2] =	stream.indirect.scatter.add.f32 [tilespmem:s12], [sflag:$0x1], $0x1, s17, s11, $0xb8;
	[tilespmem:$0x2D80] =	vst v63  }
0x48: {  	s24 =	simm.s32 $0x580  }
0x49: {  	[spmem:s2] =	stream.indirect.scatter.add.f32 [tilespmem:s12], [sflag:$0x1], $0x1, s24, s11, $0xb8;
	[tilespmem:$0x2D80] =	vst v63  }
0x4a: {  	s25 =	simm.s32 $0x600  }
0x4b: {  	[spmem:s2] =	stream.indirect.scatter.add.f32 [tilespmem:s12], [sflag:$0x1], $0x1, s25, s11, $0xb8;
	[tilespmem:$0x2D80] =	vst v63  }
0x4c: {  	s26 =	simm.s32 $0x680  }
0x4d: {  	[spmem:s2] =	stream.indirect.scatter.add.f32 [tilespmem:s12], [sflag:$0x1], $0x1, s26, s11, $0xb8;
	[tilespmem:$0x2D80] =	vst v63  }
0x4e: {  	s28 =	simm.s32 $0x700  }
0x4f: {  	[spmem:s2] =	stream.indirect.scatter.add.f32 [tilespmem:s12], [sflag:$0x1], $0x1, s28, s11, $0xb8;
	[tilespmem:$0x2D80] =	vst v63  }
0x50: {  	s29 =	simm.s32 $0x780  }
0x51: {  	[spmem:s2] =	stream.indirect.scatter.add.f32 [tilespmem:s12], [sflag:$0x1], $0x1, s29, s11, $0xb8;
	[tilespmem:$0x2D80] =	vst v63  }
0x52: {  	s30 =	simm.s32 $0x800  }
0x53: {  	[spmem:s2] =	stream.indirect.scatter.add.f32 [tilespmem:s12], [sflag:$0x1], $0x1, s30, s11, $0xb8;
	[tilespmem:$0x2D80] =	vst v63  }
0x54: {  	s31 =	simm.s32 $0x880  }
0x55: {  	[spmem:s2] =	stream.indirect.scatter.add.f32 [tilespmem:s12], [sflag:$0x1], $0x1, s31, s11, $0xb8;
	[tilespmem:$0x2D80] =	vst v63  }
0x56: {  	_ =	swait.ge [sflag:s13], $0x80  }
0x57: {  	[sflag:s13] =	ssyncset.done $0x0  }
0x58: {  	[sflag:s13] =	ssyncadd.s32 $0xFFFFFF80  }
0x59: {  	_ =	swait.ge [sflag:s13], $0x80  }
0x5a: {  	[sflag:s13] =	ssyncset.done $0x0  }
0x5b: {  	[sflag:s13] =	ssyncadd.s32 $0xFFFFFF80  }
0x5c: {  	_ =	swait.ge [sflag:s13], $0x80  }
0x5d: {  	[sflag:s13] =	ssyncset.done $0x0  }
0x5e: {  	[sflag:s13] =	ssyncadd.s32 $0xFFFFFF80  }
0x5f: {  	_ =	swait.ge [sflag:s13], $0x80  }
0x60: {  	[sflag:s13] =	ssyncset.done $0x0  }
0x61: {  	[sflag:s13] =	ssyncadd.s32 $0xFFFFFF80  }
0x62: {  	_ =	swait.ge [sflag:s13], $0x80  }
0x63: {  	[sflag:s13] =	ssyncset.done $0x0  }
0x64: {  	[sflag:s13] =	ssyncadd.s32 $0xFFFFFF80  }
0x65: {  	_ =	swait.ge [sflag:s13], $0x80  }
0x66: {  	[sflag:s13] =	ssyncset.done $0x0  }
0x67: {  	[sflag:s13] =	ssyncadd.s32 $0xFFFFFF80  }
0x68: {  	_ =	swait.ge [sflag:s13], $0x80  }
0x69: {  	[sflag:s13] =	ssyncset.done $0x0  }
0x6a: {  	[sflag:s13] =	ssyncadd.s32 $0xFFFFFF80  }
0x6b: {  	_ =	swait.ge [sflag:s13], $0x80  }
0x6c: {  	s20 =	simm.s32 $0x2000;
	s19 =	simm.s32 $0x400;
	[sflag:s13] =	ssyncset.done $0x0  }
.LBB2_2:
0x6d: {  	s21 =	sadd.s32 $0x500, s19  }
0x6e: {  	[sflag:s13] =	ssyncadd.s32 $0xFFFFFF80;
	s18 =	smov.u32 s20;
	s17 =	sadd.s32 $0x1000, s20  }
0x6f: {  	[spmem:s2] =	stream.indirect.scatter.add.f32 [tilespmem:s12], [sflag:$0x1], $0x1, s21, s11, $0xb8;
	[tilespmem:$0x2D80] =	vst v63  }
0x70: {  	p0 =	sne.s32 s20, $0x9000;
	s20 =	sadd.s32 $0x580, s19  }
0x71: {  	[spmem:s2] =	stream.indirect.scatter.add.f32 [tilespmem:s12], [sflag:$0x1], $0x1, s20, s11, $0xb8;
	[tilespmem:$0x2D80] =	vst v63  }
0x72: {  	s20 =	sadd.s32 $0x600, s19  }
0x73: {  	[spmem:s2] =	stream.indirect.scatter.add.f32 [tilespmem:s12], [sflag:$0x1], $0x1, s20, s11, $0xb8;
	[tilespmem:$0x2D80] =	vst v63  }
0x74: {  	s20 =	sadd.s32 $0x680, s19  }
0x75: {  	[spmem:s2] =	stream.indirect.scatter.add.f32 [tilespmem:s12], [sflag:$0x1], $0x1, s20, s11, $0xb8;
	[tilespmem:$0x2D80] =	vst v63  }
0x76: {  	s20 =	sadd.s32 $0x700, s19  }
0x77: {  	[spmem:s2] =	stream.indirect.scatter.add.f32 [tilespmem:s12], [sflag:$0x1], $0x1, s20, s11, $0xb8;
	[tilespmem:$0x2D80] =	vst v63  }
0x78: {  	s20 =	sadd.s32 $0x780, s19  }
0x79: {  	[spmem:s2] =	stream.indirect.scatter.add.f32 [tilespmem:s12], [sflag:$0x1], $0x1, s20, s11, $0xb8;
	[tilespmem:$0x2D80] =	vst v63  }
0x7a: {  	s20 =	sadd.s32 $0x800, s19  }
0x7b: {  	[spmem:s2] =	stream.indirect.scatter.add.f32 [tilespmem:s12], [sflag:$0x1], $0x1, s20, s11, $0xb8;
	[tilespmem:$0x2D80] =	vst v63  }
0x7c: {  	s19 =	sadd.s32 $0x880, s19  }
0x7d: {  	[spmem:s2] =	stream.indirect.scatter.add.f32 [tilespmem:s12], [sflag:$0x1], $0x1, s19, s11, $0xb8;
	[tilespmem:$0x2D80] =	vst v63  }
0x7e: {  	_ =	swait.ge [sflag:s13], $0x80  }
0x7f: {  	[sflag:s13] =	ssyncset.done $0x0  }
0x80: {  	[sflag:s13] =	ssyncadd.s32 $0xFFFFFF80  }
0x81: {  	_ =	swait.ge [sflag:s13], $0x80  }
0x82: {  	[sflag:s13] =	ssyncset.done $0x0  }
0x83: {  	[sflag:s13] =	ssyncadd.s32 $0xFFFFFF80  }
0x84: {  	_ =	swait.ge [sflag:s13], $0x80  }
0x85: {  	[sflag:s13] =	ssyncset.done $0x0  }
0x86: {  	[sflag:s13] =	ssyncadd.s32 $0xFFFFFF80  }
0x87: {  	_ =	swait.ge [sflag:s13], $0x80  }
0x88: {  	[sflag:s13] =	ssyncset.done $0x0  }
0x89: {  	[sflag:s13] =	ssyncadd.s32 $0xFFFFFF80  }
0x8a: {  	_ =	swait.ge [sflag:s13], $0x80  }
0x8b: {  	[sflag:s13] =	ssyncset.done $0x0  }
0x8c: {  	[sflag:s13] =	ssyncadd.s32 $0xFFFFFF80  }
0x8d: {  	_ =	swait.ge [sflag:s13], $0x80  }
0x8e: {  	[sflag:s13] =	ssyncset.done $0x0  }
0x8f: {  	[sflag:s13] =	ssyncadd.s32 $0xFFFFFF80  }
.Ltmp0:
0x90: {  	_ =	swait.ge [sflag:s13], $0x80;
	(pc) =	sbr.rel @p0 .LBB2_2-.Ltmp0, $4  }
0x91: {  	[sflag:s13] =	ssyncset.done $0x0  }
0x92: {  	[sflag:s13] =	ssyncadd.s32 $0xFFFFFF80  }
0x93: {  	_ =	swait.ge [sflag:s13], $0x80  }
0x94: {  	s20 =	smov.u32 s17;
	s19 =	sshra.s32 s18, $0x2;
	[sflag:s13] =	ssyncset.done $0x0  }
0x95: {  	s17 =	sadd.s32 $0x500, s19;
	[sflag:s13] =	ssyncadd.s32 $0xFFFFFF80  }
0x96: {  	[spmem:s2] =	stream.indirect.scatter.add.f32 [tilespmem:s12], [sflag:$0x1], $0x1, s17, s11, $0xb8;
	[tilespmem:$0x2D80] =	vst v63  }
0x97: {  	s24 =	sadd.s32 $0x580, s19  }
0x98: {  	[spmem:s2] =	stream.indirect.scatter.add.f32 [tilespmem:s12], [sflag:$0x1], $0x1, s24, s11, $0xb8;
	[tilespmem:$0x2D80] =	vst v63  }
0x99: {  	s25 =	sadd.s32 $0x600, s19  }
0x9a: {  	[spmem:s2] =	stream.indirect.scatter.add.f32 [tilespmem:s12], [sflag:$0x1], $0x1, s25, s11, $0xb8;
	[tilespmem:$0x2D80] =	vst v63  }
0x9b: {  	s26 =	sadd.s32 $0x680, s19  }
0x9c: {  	[spmem:s2] =	stream.indirect.scatter.add.f32 [tilespmem:s12], [sflag:$0x1], $0x1, s26, s11, $0xb8;
	[tilespmem:$0x2D80] =	vst v63  }
0x9d: {  	s28 =	sadd.s32 $0x700, s19  }
0x9e: {  	[spmem:s2] =	stream.indirect.scatter.add.f32 [tilespmem:s12], [sflag:$0x1], $0x1, s28, s11, $0xb8;
	[tilespmem:$0x2D80] =	vst v63  }
0x9f: {  	s29 =	sadd.s32 $0x780, s19  }
0xa0: {  	[spmem:s2] =	stream.indirect.scatter.add.f32 [tilespmem:s12], [sflag:$0x1], $0x1, s29, s11, $0xb8;
	[tilespmem:$0x2D80] =	vst v63  }
0xa1: {  	s30 =	sadd.s32 $0x800, s19  }
0xa2: {  	[spmem:s2] =	stream.indirect.scatter.add.f32 [tilespmem:s12], [sflag:$0x1], $0x1, s30, s11, $0xb8;
	[tilespmem:$0x2D80] =	vst v63  }
0xa3: {  	s31 =	sadd.s32 $0x880, s19  }
0xa4: {  	[spmem:s2] =	stream.indirect.scatter.add.f32 [tilespmem:s12], [sflag:$0x1], $0x1, s31, s11, $0xb8;
	[tilespmem:$0x2D80] =	vst v63  }
0xa5: {  	_ =	swait.ge [sflag:s13], $0x80  }
0xa6: {  	[sflag:s13] =	ssyncset.done $0x0  }
0xa7: {  	[sflag:s13] =	ssyncadd.s32 $0xFFFFFF80  }
0xa8: {  	_ =	swait.ge [sflag:s13], $0x80  }
0xa9: {  	[sflag:s13] =	ssyncset.done $0x0  }
0xaa: {  	[sflag:s13] =	ssyncadd.s32 $0xFFFFFF80  }
0xab: {  	_ =	swait.ge [sflag:s13], $0x80  }
0xac: {  	[sflag:s13] =	ssyncset.done $0x0  }
0xad: {  	[sflag:s13] =	ssyncadd.s32 $0xFFFFFF80  }
0xae: {  	_ =	swait.ge [sflag:s13], $0x80  }
0xaf: {  	[sflag:s13] =	ssyncset.done $0x0  }
0xb0: {  	[sflag:s13] =	ssyncadd.s32 $0xFFFFFF80  }
0xb1: {  	_ =	swait.ge [sflag:s13], $0x80  }
0xb2: {  	[sflag:s13] =	ssyncset.done $0x0  }
0xb3: {  	[sflag:s13] =	ssyncadd.s32 $0xFFFFFF80  }
0xb4: {  	_ =	swait.ge [sflag:s13], $0x80  }
0xb5: {  	[sflag:s13] =	ssyncset.done $0x0  }
0xb6: {  	[sflag:s13] =	ssyncadd.s32 $0xFFFFFF80  }
0xb7: {  	_ =	swait.ge [sflag:s13], $0x80  }
0xb8: {  	[sflag:s13] =	ssyncset.done $0x0  }
0xb9: {  	[sflag:s13] =	ssyncadd.s32 $0xFFFFFF80  }
0xba: {  	_ =	swait.ge [sflag:s13], $0x80  }
0xbb: {  	s16 =	sadd.s32 $0x1, s16;
	[sflag:s13] =	ssyncset.done $0x0  }
0xbc: {  	p0 =	sne.s32 s16, s7;
	[sflag:s13] =	ssyncadd.s32 $0xFFFFFF80  }
.Ltmp1:
0xbd: {  	[bflag:$0x0] =	sbarrier.arrive $0xFFFF;
	(pc) =	sbr.rel @p0 .LBB2_1-.Ltmp1, $4  }
0xbe: {  	[hbm:s6], [sflag:s14] =	dma.local [spmem:s15], $0x50  }
0xbf: {  	_ =	swait.ge [sflag:s9], $0x50  }
0xc0: {  	[sflag:s9] =	ssyncset.done $0x0  }
0xc1: {  	[sflag:s9] =	ssyncadd.s32 $0xFFFFFFB0  }
0xc2: {  	_ =	sfence.sel $0x180000  }
0xc3: {  	[bflag:$0x0] =	sbarrier.arrive $0xFFFF  }
0xc4: {  	p0 =	sne.s32 s0, $0x0;
	_ =	strace $0x90000047  }
0xc5: {  	s0 =	sadd.s32 @!p0 $0x100000, s1;
	[bflag:$0x2] =	sbarrier.arrive $0xFFFF  }
0xc6: {  	[sflag:s0] =	ssyncadd.tile.s32 @!p0 $0x1;
	_ =	shalt  }
.Lfunc_end2:
_tile_overlayer_lowered:
.L_overlay_start_2:
0xc7: {  	(tag) =	ssettag $0x2  }
0xc8: {  	s0 =	rddreg [dreg:$0x0];
	s2 =	stileid.u32  }
0xc9: {  	s1 =	rddreg [dreg:$0x1];
	p0 =	sne.s32 s2, $0x0  }
0xca: {  	s3 =	rddreg [dreg:$0x2];
	[bflag:$0x3] =	sbarrier.arrive $0xFFFF;
	s2 =	simm.s32 @!p0 $0x1C02  }
0xcb: {  	[timem:s3], [sflag:s2] =	dma.local @!p0 [hbm:s0], s1  }
0xcc: {  	s0 =	simm.s32 @!p0 $0x2  }
0xcd: {  	_ =	swait.ge @!p0 [sflag:s0], s1  }
0xce: {  	s1 =	ssub.s32 @!p0 $0x0, s1;
	[sflag:s0] =	ssyncset.done @!p0 $0x0  }
0xcf: {  	[sflag:s0] =	ssyncadd.s32 @!p0 s1  }
0xd0: {  	[bflag:$0x3] =	sbarrier.arrive $0xFFFF  }
0xd1: {  	_ =	shalt  }

// kernel: kernel.9.cloned.1.call-start
scs
__scs_entry_jumppad:
0x0: {  	(pc) =	sbr.rel $0x88, $3  }
0x1: {  	(tag) =	ssettag $0x0;
	lr =	simm.s32 $0x1  }
0x2: {  	[smem:$0x3F9C] =	sst lr;
	_ =	strace $0xD0000000  }
0x3: {  	_ = 	snop  }
0x4: {  	_ = 	snop  }
0x5: {  	_ = 	snop  }
0x6: {  	_ = 	snop  }
0x7: {  	_ = 	snop  }
__scs_overlays_trampoline_lowered:
0x8: {  	[smem:$0x3FAB] =	sst s0  }
0x9: {  	[smem:$0x3FAC] =	sst s1  }
0xa: {  	[smem:$0x3FAD] =	sst s2  }
0xb: {  	[smem:$0x3FAE] =	sst s3  }
0xc: {  	[smem:$0x3FAF] =	sst s4  }
0xd: {  	[smem:$0x3FB0] =	sst s5  }
0xe: {  	[smem:$0x3FB1] =	sst s6  }
0xf: {  	[smem:$0x3FB2] =	sst s7  }
0x10: {  	[smem:$0x3FB3] =	sst s8  }
0x11: {  	[smem:$0x3FB4] =	sst s9;
	s0 =	simm.s32 @!p0 $0x0  }
0x12: {  	s1 =	sld [smem:$0x3F9A];
	s0 =	simm.s32 @p0 $0x1  }
0x13: {  	[smem:$0x3FB5] =	sst s0;
	s0 =	simm.s32 @!p1 $0x0  }
0x14: {  	s2 =	sld [smem:$0x3F99];
	s0 =	simm.s32 @p1 $0x1  }
0x15: {  	[smem:$0x3FB6] =	sst s0;
	s0 =	simm.s32 @!p2 $0x0  }
0x16: {  	s3 =	sld [smem:$0x3FDB];
	s0 =	simm.s32 @p2 $0x1  }
0x17: {  	s4 =	simm.s32 $0x1BF5;
	[smem:$0x3FB8] =	sst s0  }
0x18: {  	s0 =	sld [smem:$0x3F9B];
	_ =	swait.ge [sflag:s4], $0x0  }
0x19: {  	s7 =	sld [smem:$0x3F9C]  }
0x1a: {  	s8 =	sadd.s32 $0xFFFFE003, lr  }
0x1b: {  	s9 =	sadd.s32 $0xFFFFFEF7, lr;
	s5 =	simm.s32 $0xFFFFFFFF;
	p2 =	slt.u32 s8, $0xFFFFF086  }
0x1c: {  	p1 =	slt.u32 s9, $0xF7A;
	s5 =	simm.s32 @!p2 $0x0  }
0x1d: {  	s5 =	simm.s32 @p1 $0x1;
	p0 =	seq.s32 s7, s2  }
0x1e: {  	s7 =	smul.u32 @!p0 $0xF7A, s2;
	p2 =	seq.s32 @!p0 s5, $0x0  }
0x1f: {  	s9 =	smul.u32 $0xF7A, s1;
	s8 =	simm.s32 @!p0 $0x1BF5;
	p2 =	por !p2, p0  }
0x20: {  	[sflag:s8] =	ssyncset.s32 @!p0 $0xFFFFF086;
	s6 =	sadd.s32 @!p0 s3, s7;
	s7 =	simm.s32 @!p0 $0x108  }
0x21: {  	s3 =	sadd.s32 s3, s9;
	s6 =	sadd.s32 @!p0 $0x88, s6;
	s7 =	simm.s32 @p2 $0x1082  }
0x22: {  	[simem:s7], [sflag:s8] =	dma.local @!p0 [hbm:s6], $0xF7A  }
0x23: {  	s9 =	sor.u32 $0xD0000000, s2;
	s6 =	simm.s32 $0x108;
	_ =	swait.ge @!p0 [sflag:s8], $0x0  }
0x24: {  	s3 =	sadd.s32 $0x88, s3;
	s6 =	simm.s32 @!p1 $0x1082;
	[sflag:s4] =	ssyncset.s32 $0xFFFFF086  }
0x25: {  	[simem:s6], [sflag:s4] =	dma.local [hbm:s3], $0xF7A  }
0x26: {  	[smem:$0x3F9C] =	sst s1;
	(tag) =	ssettag s2;
	_ =	strace s9  }
0x27: {  	s1 =	sld [smem:$0x3FAC]  }
0x28: {  	s2 =	sld [smem:$0x3FAD]  }
0x29: {  	s4 =	sld [smem:$0x3FAF]  }
0x2a: {  	p0 =	seq.s32 s5, $0x0;
	s5 =	sld [smem:$0x3FB0]  }
0x2b: {  	s6 =	sld [smem:$0x3FB1]  }
0x2c: {  	s7 =	sld [smem:$0x3FB2]  }
0x2d: {  	s3 =	simm.s32 $0x108;
	s8 =	sld [smem:$0x3FB3]  }
0x2e: {  	s3 =	simm.s32 @!p0 $0x1082;
	s9 =	sld [smem:$0x3FB4]  }
0x2f: {  	lr =	sadd.s32 s0, s3;
	s0 =	sld [smem:$0x3FAB]  }
0x30: {  	s3 =	sld [smem:$0x3FAE]  }
0x31: {  	[smem:$0x3FB7] =	sst s10  }
0x32: {  	s10 =	sld [smem:$0x3FB5];
	_ =	sdelay $0x3  }
0x33: {  	p0 =	seq.s32 s10, $0x1;
	s10 =	sld [smem:$0x3FB7];
	_ =	sdelay $0x3  }
0x34: {  	[smem:$0x3FB7] =	sst s10  }
0x35: {  	s10 =	sld [smem:$0x3FB6];
	_ =	sdelay $0x3  }
0x36: {  	p1 =	seq.s32 s10, $0x1;
	s10 =	sld [smem:$0x3FB7];
	_ =	sdelay $0x3  }
0x37: {  	[smem:$0x3FB7] =	sst s10  }
0x38: {  	s10 =	sld [smem:$0x3FB8]  }
0x39: {  	_ = 	snop;
	(pc) =	sbr.ind lr, $3  }
0x3a: {  	_ = 	snop  }
0x3b: {  	_ = 	snop  }
0x3c: {  	p2 =	seq.s32 s10, $0x1;
	s10 =	sld [smem:$0x3FB7]  }
0x3d: {  	_ =	shalt  }
0x3e: {  	_ =	shalt  }
0x3f: {  	_ =	shalt  }
0x40: {  	_ =	shalt  }
0x41: {  	_ =	shalt  }
0x42: {  	_ =	shalt  }
0x43: {  	_ =	shalt  }
0x44: {  	_ =	shalt  }
0x45: {  	_ =	shalt  }
0x46: {  	_ =	shalt  }
0x47: {  	_ =	shalt  }
0x48: {  	_ =	shalt  }
0x49: {  	_ =	shalt  }
0x4a: {  	_ =	shalt  }
0x4b: {  	_ =	shalt  }
0x4c: {  	_ =	shalt  }
0x4d: {  	_ =	shalt  }
0x4e: {  	_ =	shalt  }
0x4f: {  	_ =	shalt  }
0x50: {  	_ =	shalt  }
0x51: {  	_ =	shalt  }
0x52: {  	_ =	shalt  }
0x53: {  	_ =	shalt  }
0x54: {  	_ =	shalt  }
0x55: {  	_ =	shalt  }
0x56: {  	_ =	shalt  }
0x57: {  	_ =	shalt  }
0x58: {  	_ =	shalt  }
0x59: {  	_ =	shalt  }
0x5a: {  	_ =	shalt  }
0x5b: {  	_ =	shalt  }
0x5c: {  	_ =	shalt  }
0x5d: {  	_ =	shalt  }
0x5e: {  	_ =	shalt  }
0x5f: {  	_ =	shalt  }
0x60: {  	_ =	shalt  }
0x61: {  	_ =	shalt  }
0x62: {  	_ =	shalt  }
0x63: {  	_ =	shalt  }
0x64: {  	_ =	shalt  }
0x65: {  	_ =	shalt  }
0x66: {  	_ =	shalt  }
0x67: {  	_ =	shalt  }
0x68: {  	_ =	shalt  }
0x69: {  	_ =	shalt  }
0x6a: {  	_ =	shalt  }
0x6b: {  	_ =	shalt  }
0x6c: {  	_ =	shalt  }
0x6d: {  	_ =	shalt  }
0x6e: {  	_ =	shalt  }
0x6f: {  	_ =	shalt  }
0x70: {  	_ =	shalt  }
0x71: {  	_ =	shalt  }
0x72: {  	_ =	shalt  }
0x73: {  	_ =	shalt  }
0x74: {  	_ =	shalt  }
0x75: {  	_ =	shalt  }
0x76: {  	_ =	shalt  }
0x77: {  	_ =	shalt  }
0x78: {  	_ =	shalt  }
0x79: {  	_ =	shalt  }
0x7a: {  	_ =	shalt  }
0x7b: {  	_ =	shalt  }
0x7c: {  	_ =	shalt  }
0x7d: {  	_ =	shalt  }
0x7e: {  	_ =	shalt  }
0x7f: {  	_ =	shalt  }
0x80: {  	_ =	shalt  }
0x81: {  	_ =	shalt  }
0x82: {  	_ =	shalt  }
0x83: {  	_ =	shalt  }
0x84: {  	_ =	shalt  }
0x85: {  	_ =	shalt  }
0x86: {  	_ =	shalt  }
0x87: {  	_ =	shalt  }
.Lfunc_end0:
.L_simem_size_0:
called_computation.1_lowered:
.L_overlay_start_0:
0x88: {  	s2 =	sld [smem:$0x3FD9]  }
0x89: {  	s3 =	sld [smem:$0x3FFE];
	_ =	sdelay $0x1  }
0x8a: {  	s1 =	srdreg.scid  }
0x8b: {  	s0 =	sand.u32 $0x1, s1  }
0x8c: {  	s17 =	sshll.u32 s0, $0xA;
	s2 =	sadd.s32 s3, s2  }
0x8d: {  	s2 =	sadd.s32 s2, s17  }
0x8e: {  	[smem:$0x3FC3] =	sst s2  }
0x8f: {  	_ = 	snop  }
0x90: {  	s2 =	sld [smem:$0x3FD0];
	(tm) =	ssettm $0x1  }
0x91: {  	s18 =	sld [smem:$0x3FFB];
	_ =	sdelay $0x3  }
0x92: {  	_ =	strace s18  }
0x93: {  	s3 =	sld [smem:$0x3FFC];
	_ =	sdelay $0x3  }
0x94: {  	_ =	strace s3  }
0x95: {  	s3 =	sld [smem:$0x3FFD];
	_ =	sdelay $0x3  }
0x96: {  	_ =	strace s3  }
0x97: {  	_ =	strace $0x8FFFFFFF  }
0x98: {  	s19 =	sld [smem:$0x3FDB];
	_ =	sdelay $0x1  }
0x99: {  	s4 =	simm.s32 $_scs_section_size  }
0x9a: {  	s5 =	simm.s32 $_size__tile_overlayer_lowered;
	s6 =	simm.s32 $_tile_overlayer_lowered  }
0x9b: {  	s22 =	simm.s32 $0x1BFF;
	s21 =	sshll.u32 s6, $0x1;
	s3 =	sadd.s32 s4, s19  }
0x9c: {  	s7 =	simm.s32 $0x0;
	s20 =	sshll.u32 s5, $0x1;
	s5 =	sadd.s32 s21, s3  }
0x9d: {  	[timem:s7], [sflag:s22] =	dma.local [hbm:s5], s20  }
0x9e: {  	_ =	swait.ge [sflag:s22], s20  }
0x9f: {  	s4 =	ssub.s32 $0x0, s20;
	[sflag:s22] =	ssyncset.done $0x0  }
0xa0: {  	[sflag:s22] =	ssyncadd.s32 s4;
	_ =	sdelay $0x1  }
0xa1: {  	s23 =	simm.s32 $0x1B8B  }
0xa2: {  	_ =	swait.ge [sflag:s23], $0x1  }
0xa3: {  	[sflag:s23] =	ssyncset.done $0x0  }
0xa4: {  	s25 =	simm.s32 $0x1B8E;
	s24 =	sld [smem:$0x3FFE];
	[sflag:s23] =	ssyncadd.s32 $0xFFFFFFFF  }
0xa5: {  	s26 =	simm.s32 $execute0_lowered;
	[smem:$0x3FD2] =	sst s25  }
0xa6: {  	s5 =	sshll.u32 s26, $0x1;
	_ =	strace $0x80000049;
	[dreg:$0x1] =	wrdreg $0xFFFFFFFF  }
0xa7: {  	s28 =	simm.s32 $_size_execute0_lowered;
	s3 =	sadd.s32 s3, s5;
	[dreg:$0x0] =	wrdreg $0x0  }
0xa8: {  	s5 =	sshll.u32 s28, $0x1;
	[dreg:$0x2] =	wrdreg s3  }
0xa9: {  	[dreg:$0x3] =	wrdreg s5  }
0xaa: {  	[dreg:$0x4] =	wrdreg $0xC0  }
0xab: {  	_ =	task [dreg:s7], $0x5FFFF  }
0xac: {  	[dreg:$0x1] =	wrdreg $0xFFFFFFFF  }
0xad: {  	[dreg:$0x0] =	wrdreg $0x60  }
0xae: {  	[dreg:$0x2] =	wrdreg s24  }
0xaf: {  	[dreg:$0x3] =	wrdreg s2  }
0xb0: {  	[dreg:$0x4] =	wrdreg $0x0  }
0xb1: {  	[dreg:$0x5] =	wrdreg $0x9  }
0xb2: {  	_ =	task.clear_ibuf [dreg:s7], $0x6FFFF;
	_ =	strace $0x90000049  }
0xb3: {  	s29 =	simm.s32 $0x9;
	_ =	strace $0x8000004B  }
0xb4: {  	_ =	swait.ge [sflag:s29], $0x1  }
0xb5: {  	[sflag:s29] =	ssyncadd.s32 $0xFFFFFFFF  }
0xb6: {  	_ =	strace $0x9000004B  }
0xb7: {  	_ =	sfence  }
0xb8: {  	s30 =	sld [smem:$0x0];
	_ =	sdelay $0x2  }
0xb9: {  	s31 =	sshll.u32 s1, $0xD;
	s1 =	sshrl.u32 s1, $0x2  }
0xba: {  	s3 =	sand.u32 $0x4000, s31;
	s1 =	sadd.s32 s1, s30  }
0xbb: {  	s0 =	sor.u32 s3, s0;
	s1 =	sshll.u32 s1, $0x11  }
0xbc: {  	s0 =	sor.u32 s1, s0  }
0xbd: {  	s0 =	sadd.s32 $0x8F2B, s0  }
0xbe: {  	[sflag:s0] =	ssyncadd.remote.s32 $0x1  }
0xbf: {  	_ =	sfence.sel $0xFFFF  }
0xc0: {  	[dreg:$0x0] =	wrdreg $0xFFFFFFFF;
	(pc) =	sbr.abs _section_cstart, $3  }
0xc1: {  	[dreg:$0x1] =	wrdreg $0xFFFFFFFF  }
0xc2: {  	_ =	task.clear_ibuf [dreg:s7], $0x2FFFF;
	_ =	strace $0x9FFFFFFF  }
0xc3: {  	(tm) =	ssettm $0x7FFFFFFF  }
tec
execute0_lowered:
.L_overlay_start_1:
0x0: {  	(tag) =	ssettag $0x1  }
0x1: {  	s4 =	rddreg [dreg:$0x0]  }
0x2: {  	s5 =	rddreg [dreg:$0x1]  }
0x3: {  	s1 =	rddreg [dreg:$0x2]  }
0x4: {  	s2 =	srdreg.scid;
	s0 =	rddreg [dreg:$0x3]  }
0x5: {  	s3 =	simm.s32 $0x0;
	s14 =	simm.s32 $0x80;
	s15 =	simm.s32 $0x14000  }
0x6: {  	s16 =	simm.s32 $0xA080;
	s17 =	simm.s32 $0x16000;
	s18 =	simm.s32 $0xA100  }
0x7: {  	s19 =	simm.s32 $0x18000;
	s20 =	simm.s32 $0x9;
	s6 =	sand.u32 $0x1, s2  }
0x8: {  	s21 =	simm.s32 $0xA;
	s2 =	stileid.u32;
	s7 =	smul.u32 $0xA0000, s6  }
0x9: {  	s22 =	simm.s32 $0x0;
	[smem:$0x7FF] =	sst s3;
	s8 =	smul.u32 $0xA000, s2  }
0xa: {  	_ =	strace $0x8000004A;
	s10 =	smul.u32 $0xA00, s2;
	s6 =	ssub.s32 $0x2, s6  }
0xb: {  	s31 =	sshll.u32 s2, $0x6;
	s11 =	sshrl.u32 s6, $0x1;
	s9 =	sshrl.u32 s7, $0x3  }
0xc: {  	s7 =	sadd.s32 s8, s7;
	s10 =	sadd.s32 s10, s4;
	s11 =	ssub.s32 s6, s11  }
0xd: {  	s30 =	sshrl.u32 s8, $0x3;
	s13 =	sadd.s32 s8, s1;
	s7 =	sshrl.u32 s7, $0x3  }
0xe: {  	s9 =	sadd.s32 s9, s4;
	s6 =	sadd.s32 $0xAE00, s10;
	s12 =	sadd.s32 s7, s4  }
0xf: {  	s4 =	sadd.s32 s5, s30;
	s5 =	sor.u32 $0x1C0B, s31;
	s7 =	sadd.s32 $0xE00, s10  }
0x10: {  	s8 =	sadd.s32 $0x14E00, s9;
	s10 =	smax.u32 s11, $0x1;
	s11 =	sshrl.u32 s13, $0x3  }
0x11: {  	s13 =	simm.s32 $0xA000;
	s9 =	sadd.s32 $0x3CE00, s12;
	s12 =	simm.s32 $0xB  }
.LBB2_1:
0x12: {  	[spmem:s11], [sflag:s5] =	dma.local [hbm:s4], $0x1400  }
0x13: {  	_ =	swait.ge [sflag:s12], $0x1400  }
0x14: {  	[sflag:s12] =	ssyncset.done $0x0  }
0x15: {  	[sflag:s12] =	ssyncadd.s32 $0xFFFFEC00  }
0x16: {  	[tilespmem:s13], [sflag:$0xB] =	stream.linear.gather [hbm4b:s6+s3], $0x5000, $0x38;
	[tilespmem:$0x1E000] =	vst v63  }
0x17: {  	_ =	swait.ge [sflag:s12], $0x5000  }
0x18: {  	[sflag:s12] =	ssyncset.done $0x0  }
0x19: {  	s23 =	simm.s32 $0xF000;
	[sflag:s12] =	ssyncadd.s32 $0xFFFFB000  }
0x1a: {  	[tilespmem:s23], [sflag:$0xB] =	stream.linear.gather [hbm4b:s7+s3], $0x5000, $0x38;
	[tilespmem:$0x1E000] =	vst v63  }
0x1b: {  	_ =	swait.ge [sflag:s12], $0x5000  }
0x1c: {  	[sflag:s12] =	ssyncset.done $0x0  }
0x1d: {  	[sflag:s12] =	ssyncadd.s32 $0xFFFFB000  }
0x1e: {  	[bflag:$0x0] =	sbarrier.arrive $0xFFFF  }
0x1f: {  	[tilespmem:s15], [sflag:$0x1] =	stream.indirect.gather [hbm4b:s8+s14], $0x40, s13, s14, $0xb8;
	[tilespmem:$0x1E000] =	vst v63  }
0x20: {  	_ = 	snop  }
0x21: {  	[tilespmem:s17], [sflag:$0x2] =	stream.indirect.gather [hbm4b:s8+s14], $0x40, s16, s14, $0xb8;
	[tilespmem:$0x1E000] =	vst v63  }
0x22: {  	s24 =	simm.s32 $0xA180;
	s25 =	simm.s32 $0x0  }
0x23: {  	[tilespmem:s19], [sflag:$0x3] =	stream.indirect.gather [hbm4b:s8+s14], $0x40, s18, s14, $0xb8;
	[tilespmem:$0x1E000] =	vst v63  }
.LBB2_2:
0x24: {  	p0 =	slt.u32 s25, $0x2  }
0x25: {  	s26 =	sadd.s32 @!p0 $0xFFFFFFFE, s25  }
0x26: {  	s28 =	sand.u32 @!p0 $0xFF, s26  }
0x27: {  	s28 =	smul.u32 @!p0 $0xCD, s28;
	_ =	sdelay $0x1  }
0x28: {  	s28 =	sshrl.u32 @!p0 s28, $0xA  }
0x29: {  	s28 =	smul.u32 @!p0 $0x5, s28;
	_ =	sdelay $0x1  }
0x2a: {  	s26 =	ssub.s32 @!p0 s26, s28  }
0x2b: {  	s26 =	sand.u32 @!p0 $0xFF, s26  }
0x2c: {  	s26 =	sadd.s32 @!p0 $0x6, s26  }
0x2d: {  	p1 =	sgt.u32 @!p0 s25, $0x9C;
	_ =	swait.ge @!p0 [sflag:s26], $0x2000  }
0x2e: {  	p1 =	por p0, !p1;
	[sflag:s26] =	ssyncset.done @!p0 $0x0  }
0x2f: {  	[sflag:s26] =	ssyncadd.s32 @!p0 $0xFFFFE000;
	s26 =	sadd.s32 @p1 $0x3, s25  }
0x30: {  	s28 =	smul.u32 @p1 $0xCD, s26;
	_ =	sdelay $0x1  }
0x31: {  	s28 =	sshrl.u32 @p1 s28, $0xA  }
0x32: {  	s28 =	sand.u32 @p1 $0x3F, s28  }
0x33: {  	s28 =	smul.u32 @p1 $0x5, s28;
	_ =	sdelay $0x1  }
0x34: {  	s26 =	ssub.s32 @p1 s26, s28  }
0x35: {  	s26 =	sand.u32 @p1 $0xFF, s26  }
0x36: {  	s28 =	sshll.u32 @p1 s26, $0xD  }
0x37: {  	s29 =	smul.u32 $0xCD, s25;
	s26 =	sadd.s32 @p1 $0x1, s26;
	s28 =	sadd.s32 @p1 $0x14000, s28  }
0x38: {  	[tilespmem:s28], [sflag:s26] =	stream.indirect.gather @p1 [hbm4b:s8+s14], $0x40, s24, s14, $0xb8;
	[tilespmem:$0x1E000] =	vst v63  }
0x39: {  	s26 =	sshrl.u32 s29, $0xA  }
0x3a: {  	s26 =	sand.u32 $0x3F, s26  }
0x3b: {  	s26 =	smul.u32 $0x5, s26;
	_ =	sdelay $0x1  }
0x3c: {  	s26 =	ssub.s32 s25, s26  }
0x3d: {  	s25 =	sadd.s32 $0x1, s25;
	s26 =	sand.u32 $0xFF, s26  }
0x3e: {  	p0 =	sne.s32 s25, $0xA0;
	s30 =	sadd.s32 $0x1, s26  }
.Ltmp0:
0x3f: {  	_ =	swait.ge [sflag:s30], $0x2000;
	(pc) =	sbr.rel @p0 .LBB2_2-.Ltmp0, $4  }
0x40: {  	s29 =	sshll.u32 s26, $0xD;
	[sflag:s30] =	ssyncset.done $0x0  }
0x41: {  	s26 =	sadd.s32 $0x6, s26;
	s31 =	sadd.s32 $0x14000, s29;
	[sflag:s30] =	ssyncadd.s32 $0xFFFFE000  }
0x42: {  	[spmem:s1] =	stream.indirect.scatter.add.f32 [tilespmem:s31], [sflag:s26], $0x40, s23, s14, $0xb8;
	[tilespmem:$0x1E000] =	vst v63  }
0x43: {  	s24 =	sadd.s32 $0x80, s24;
	s23 =	sadd.s32 $0x80, s23  }
0x44: {  	_ =	swait.ge [sflag:s20], $0x2000  }
0x45: {  	[sflag:s20] =	ssyncset.done $0x0  }
0x46: {  	[sflag:s20] =	ssyncadd.s32 $0xFFFFE000  }
0x47: {  	_ =	swait.ge [sflag:s21], $0x2000  }
0x48: {  	s22 =	sadd.s32 $0x1, s22;
	[sflag:s21] =	ssyncset.done $0x0  }
0x49: {  	p0 =	sne.s32 s22, s10;
	[sflag:s21] =	ssyncadd.s32 $0xFFFFE000  }
.Ltmp1:
0x4a: {  	[bflag:$0x0] =	sbarrier.arrive $0xFFFF;
	(pc) =	sbr.rel @p0 .LBB2_1-.Ltmp1, $4  }
0x4b: {  	[hbm:s9], [sflag:s5] =	dma.local [spmem:s11], $0x1400  }
0x4c: {  	_ =	swait.ge [sflag:s12], $0x1400  }
0x4d: {  	[sflag:s12] =	ssyncset.done $0x0  }
0x4e: {  	[sflag:s12] =	ssyncadd.s32 $0xFFFFEC00  }
0x4f: {  	_ =	sfence.sel $0x180000  }
0x50: {  	[bflag:$0x0] =	sbarrier.arrive $0xFFFF  }
0x51: {  	p0 =	sne.s32 s2, $0x0;
	_ =	strace $0x9000004A  }
0x52: {  	s0 =	sadd.s32 @!p0 $0x100000, s0;
	[bflag:$0x2] =	sbarrier.arrive $0xFFFF  }
0x53: {  	[sflag:s0] =	ssyncadd.tile.s32 @!p0 $0x1;
	_ =	shalt  }
.Lfunc_end2:
_tile_overlayer_lowered:
.L_overlay_start_2:
0x54: {  	(tag) =	ssettag $0x2  }
0x55: {  	s0 =	rddreg [dreg:$0x0];
	s2 =	stileid.u32  }
0x56: {  	s1 =	rddreg [dreg:$0x1];
	p0 =	sne.s32 s2, $0x0  }
0x57: {  	s3 =	rddreg [dreg:$0x2];
	[bflag:$0x3] =	sbarrier.arrive $0xFFFF;
	s2 =	simm.s32 @!p0 $0x1C0B  }
0x58: {  	[timem:s3], [sflag:s2] =	dma.local @!p0 [hbm:s0], s1  }
0x59: {  	s0 =	simm.s32 @!p0 $0xB  }
0x5a: {  	_ =	swait.ge @!p0 [sflag:s0], s1  }
0x5b: {  	s1 =	ssub.s32 @!p0 $0x0, s1;
	[sflag:s0] =	ssyncset.done @!p0 $0x0  }
0x5c: {  	[sflag:s0] =	ssyncadd.s32 @!p0 s1  }
0x5d: {  	[bflag:$0x3] =	sbarrier.arrive $0xFFFF  }
0x5e: {  	_ =	shalt  }

</sc_bundles>
